<compile_context>
chip_gen: v7x
topology: tpu7x:2x2x1
jax: 0.10.2.dev20260603
libtpu: 0.0.44.dev20260713+nightly
codegen_flags: <defaults>
</compile_context>

<pallas_src>
import functools

import jax
import jax.numpy as jnp
from jax import lax
from jax.experimental import pallas as pl
from jax.experimental.pallas import tpu as pltpu
from jax.experimental.pallas import tpu_sc as plsc

NC = 2
NS = 16
L = 16
NW = NC * NS
UNROLL = 4
NBUF = 2
NCHUNK = 4
SC_NUM, SC_DEN = 1, 2
TC_COLS = 1024
TC_ROWS = 128


def _make_kernel(n, n_total, vocab, embed):
    assert embed == L
    assert n % (NW * NCHUNK * L * UNROLL) == 0
    n_w = n // NW
    n_ch = n_w // NCHUNK
    inv_n = 1.0 / n_total

    mesh = plsc.VectorSubcoreMesh(
        core_axis_name="c", subcore_axis_name="s",
        num_cores=NC, num_subcores=NS)

    @functools.partial(
        pl.kernel,
        out_type=jax.ShapeDtypeStruct((NW, L), jnp.float32),
        mesh=mesh,
        compiler_params=pltpu.CompilerParams(needs_layout_passes=False),
        scratch_types=[
            pltpu.VMEM((NBUF * n_ch,), jnp.int32),
            pltpu.VMEM((vocab, L), jnp.float32),
            pltpu.VMEM((UNROLL * L * L,), jnp.int32),
            pltpu.VMEM((L,), jnp.float32),
            pltpu.SemaphoreType.DMA,
            pltpu.SemaphoreType.DMA,
            pltpu.SemaphoreType.DMA,
        ],
    )
    def k(digits_hbm, table_hbm, out_hbm, chunk_v, table_v, hist_v, out_v,
          sem0, sem1, sem_t):
        sems = [sem0, sem1]
        wid = lax.axis_index("s") * NC + lax.axis_index("c")
        base = wid * n_w

        def issue(c):
            return pltpu.async_copy(
                digits_hbm.at[pl.ds(base + c * n_ch, n_ch)],
                chunk_v.at[pl.ds((c % NBUF) * n_ch, n_ch)], sems[c % NBUF])

        with jax.named_scope("sc_prolog"):
            descs = {c: issue(c) for c in range(NBUF)}
            table_desc = pltpu.async_copy(table_hbm, table_v, sem_t)

            zero16 = jnp.zeros((L,), jnp.int32)
            for u in range(UNROLL):
                for d in range(vocab):
                    hist_v[pl.ds((u * L + d) * L, L)] = zero16

        lane = lax.iota(jnp.int32, 16)
        ones = jnp.ones((L,), jnp.int32)
        lane_off = [lane + u * L * L for u in range(UNROLL)]
        n_vec_ch = n_ch // L

        for c in range(NCHUNK):
            with jax.named_scope(f"sc_wait{c}"):
                descs[c].wait()
            buf_base = (c % NBUF) * n_ch

            with jax.named_scope(f"sc_hist{c}"):
                @plsc.parallel_loop(0, n_vec_ch, step=UNROLL, unroll=2)
                def _(i):
                    for u in range(UNROLL):
                        v = chunk_v[pl.ds(buf_base + (i + u) * L, L)]
                        idx = (v << 4) + lane_off[u]
                        plsc.addupdate_scatter(hist_v, [idx], ones)

            if c + NBUF < NCHUNK:
                descs[c + NBUF] = issue(c + NBUF)

        with jax.named_scope("sc_epi"):
            table_desc.wait()
            accf = jnp.zeros((L,), jnp.float32)
            for d in range(vocab):
                row = hist_v[pl.ds(d * L, L)]
                for u in range(1, UNROLL):
                    row = row + hist_v[pl.ds((u * L + d) * L, L)]
                total = jnp.sum(row).astype(jnp.float32)
                accf = accf + total * table_v[d, :]
            out_v[:] = accf * inv_n
            pltpu.sync_copy(out_v, out_hbm.at[wid])

    return k


def _make_tc_kernel(n_tc, n_total, vocab, embed):
    assert n_tc % (TC_ROWS * TC_COLS) == 0
    grid = n_tc // (TC_ROWS * TC_COLS)
    row0 = (n_total - n_tc) // TC_COLS // TC_ROWS
    inv_n = 1.0 / n_total

    def body(x_ref, table_ref, out_ref, acc_ref):
        pid = pl.program_id(0)

        @pl.when(pid == 0)
        def _():
            for d in range(vocab):
                acc_ref[d] = 0

        x = x_ref[...]
        for d in range(vocab):
            acc_ref[d] += jnp.sum((x == d).astype(jnp.int32))

        @pl.when(pid == grid - 1)
        def _():
            accf = jnp.zeros((1, embed), jnp.float32)
            for d in range(vocab):
                accf = accf + (acc_ref[d].astype(jnp.float32)
                               * table_ref[d:d + 1, :])
            out_ref[...] = accf * inv_n

    return pl.pallas_call(
        body,
        grid=(grid,),
        in_specs=[
            pl.BlockSpec((TC_ROWS, TC_COLS), lambda i: (i + row0, 0)),
            pl.BlockSpec((vocab, embed), lambda i: (0, 0)),
        ],
        out_specs=pl.BlockSpec((1, embed), lambda i: (0, 0)),
        out_shape=jax.ShapeDtypeStruct((1, embed), jnp.float32),
        scratch_shapes=[pltpu.SMEM((vocab,), jnp.int32)],
    )


def kernel(digits, table):
    n, = digits.shape
    vocab, embed = table.shape
    digits = digits.astype(jnp.int32)
    parts = _make_kernel(n, n, vocab, embed)(digits, table)
    return parts.sum(axis=0)

# --- scband reference (transcript-rebuilt; emitter-appended) ---
"""Pipeline reference for scband-digit-embedding-40879498729249 (READ-ONLY COPY).

The authoritative reference and input builder live on the scoring server;
editing this copy changes nothing except your own understanding.
"""

import jax, jax.numpy as jnp
import numpy as np

NUM_DIGITS = 1048576
VOCAB = 10
EMBED_DIM = 16

def setup_inputs(seed: int = 0) -> dict:
    key = jax.random.key(seed)
    k1, k2 = jax.random.split(key)
    digits = jax.random.randint(k1, (NUM_DIGITS,), 0, VOCAB, dtype=jnp.int64 if jax.config.jax_enable_x64 else jnp.int32)
    table = jax.random.normal(k2, (VOCAB, EMBED_DIM), dtype=jnp.float32)
    return {"digits": digits, "table": table}

def reference(digits, table):
    # nn.Embedding lookup -> gather rows, then mean over the digit axis (dim=0)
    embedded = jnp.take(table, digits, axis=0)  # [N, D]
    return embedded.mean(axis=0)  # [D]

if __name__ == "__main__":
    import jax
    _d = setup_inputs()
    print(jax.jit(kernel)(*tuple(_d.values())))

</pallas_src>

<mosaic_0001>
#map = affine_map<(d0, d1) -> (0)>
#map1 = affine_map<(d0, d1) -> (0, 0)>
module attributes {stable_mosaic.version = 14 : i64} {
  func.func @k(%arg0: i32, %arg1: i32, %arg2: memref<1048576xi32, #tpu.memory_space<hbm>>, %arg3: memref<10x16xf32, #tpu.memory_space<hbm>>, %arg4: memref<32x16xf32, #tpu.memory_space<hbm>>, %arg5: memref<16384xi32, #tpu.memory_space<vmem>>, %arg6: memref<10x16xf32, #tpu.memory_space<vmem>>, %arg7: memref<1024xi32, #tpu.memory_space<vmem>>, %arg8: memref<16xf32, #tpu.memory_space<vmem>>, %arg9: memref<!tpu.dma_semaphore, #tpu.memory_space<semaphore_mem>>, %arg10: memref<!tpu.dma_semaphore, #tpu.memory_space<semaphore_mem>>, %arg11: memref<!tpu.dma_semaphore, #tpu.memory_space<semaphore_mem>>) attributes {dimension_semantics = [#tpu.dimension_semantics<core_parallel>, #tpu.dimension_semantics<subcore_parallel>], iteration_bounds = array<i64: 2, 16>, scalar_prefetch = 0 : i64, scratch_operands = 7 : i64, tpu.core_type = #tpu.core_type<sc_vector_subcore>, window_params = [{transform_indices = #map}, {transform_indices = #map1}, {transform_indices = #map1}]} {
    %mul3A = arith.constant 2 : i32
    %mul3A_0 = arith.muli %arg1, %mul3A : i32
    %add3A = arith.addi %mul3A_0, %arg0 : i32
    %mul3A_1 = arith.constant 32768 : i32
    %mul3A_2 = arith.muli %add3A, %mul3A_1 : i32
    "tpu.trace_start"() <{level = 10 : i32, message = "sc_prolog"}> : () -> ()
    %add3A_3 = arith.constant 0 : i32
    %add3A_4 = arith.addi %mul3A_2, %add3A_3 : i32
    %dma_start3A = arith.constant 0 : i32
    %dma_start3A_5 = tpu.memref_slice %arg5[%dma_start3A] : memref<16384xi32, #tpu.memory_space<vmem>> -> memref<8192xi32, #tpu.memory_space<vmem>>
    %dma_start3A_6 = tpu.memref_slice %arg2[%add3A_4] : memref<1048576xi32, #tpu.memory_space<hbm>> -> memref<8192xi32, #tpu.memory_space<hbm>>
    %dma_start3A_7 = arith.constant 0 : i32
    %dma_start3A_8 = tpu.memref_slice %arg5[%dma_start3A_7] : memref<16384xi32, #tpu.memory_space<vmem>> -> memref<8192xi32, #tpu.memory_space<vmem>>
    %dma_start3A_9 = tpu.memref_slice %arg2[%add3A_4] : memref<1048576xi32, #tpu.memory_space<hbm>> -> memref<8192xi32, #tpu.memory_space<hbm>>
    tpu.enqueue_dma source(%dma_start3A_9 : memref<8192xi32, #tpu.memory_space<hbm>>) target(%dma_start3A_8 : memref<8192xi32, #tpu.memory_space<vmem>>) target_semaphore(%arg9 : memref<!tpu.dma_semaphore, #tpu.memory_space<semaphore_mem>>)
    %add3A_10 = arith.constant 8192 : i32
    %add3A_11 = arith.addi %mul3A_2, %add3A_10 : i32
    %dma_start3A_12 = arith.constant 8192 : i32
    %dma_start3A_13 = tpu.memref_slice %arg5[%dma_start3A_12] : memref<16384xi32, #tpu.memory_space<vmem>> -> memref<8192xi32, #tpu.memory_space<vmem>>
    %dma_start3A_14 = tpu.memref_slice %arg2[%add3A_11] : memref<1048576xi32, #tpu.memory_space<hbm>> -> memref<8192xi32, #tpu.memory_space<hbm>>
    %dma_start3A_15 = arith.constant 8192 : i32
    %dma_start3A_16 = tpu.memref_slice %arg5[%dma_start3A_15] : memref<16384xi32, #tpu.memory_space<vmem>> -> memref<8192xi32, #tpu.memory_space<vmem>>
    %dma_start3A_17 = tpu.memref_slice %arg2[%add3A_11] : memref<1048576xi32, #tpu.memory_space<hbm>> -> memref<8192xi32, #tpu.memory_space<hbm>>
    tpu.enqueue_dma source(%dma_start3A_17 : memref<8192xi32, #tpu.memory_space<hbm>>) target(%dma_start3A_16 : memref<8192xi32, #tpu.memory_space<vmem>>) target_semaphore(%arg10 : memref<!tpu.dma_semaphore, #tpu.memory_space<semaphore_mem>>)
    tpu.enqueue_dma source(%arg3 : memref<10x16xf32, #tpu.memory_space<hbm>>) target(%arg6 : memref<10x16xf32, #tpu.memory_space<vmem>>) target_semaphore(%arg11 : memref<!tpu.dma_semaphore, #tpu.memory_space<semaphore_mem>>)
    %broadcast_in_dim3A = arith.constant 0 : i32
    %broadcast_in_dim3A_18 = vector.broadcast %broadcast_in_dim3A : i32 to vector<16xi32>
    %swap3A = arith.constant 0 : index
    %swap3A_19 = tpu.vector_load %arg7[%swap3A] {strides = array<i32>} : memref<1024xi32, #tpu.memory_space<vmem>>, vector<16xi32>,
    tpu.vector_store %arg7[%swap3A], %broadcast_in_dim3A_18 {strides = array<i32>} : memref<1024xi32, #tpu.memory_space<vmem>>, vector<16xi32>,
    %swap3A_20 = arith.constant 16 : index
    %swap3A_21 = tpu.vector_load %arg7[%swap3A_20] {strides = array<i32>} : memref<1024xi32, #tpu.memory_space<vmem>>, vector<16xi32>,
    tpu.vector_store %arg7[%swap3A_20], %broadcast_in_dim3A_18 {strides = array<i32>} : memref<1024xi32, #tpu.memory_space<vmem>>, vector<16xi32>,
    %swap3A_22 = arith.constant 32 : index
    %swap3A_23 = tpu.vector_load %arg7[%swap3A_22] {strides = array<i32>} : memref<1024xi32, #tpu.memory_space<vmem>>, vector<16xi32>,
    tpu.vector_store %arg7[%swap3A_22], %broadcast_in_dim3A_18 {strides = array<i32>} : memref<1024xi32, #tpu.memory_space<vmem>>, vector<16xi32>,
    %swap3A_24 = arith.constant 48 : index
    %swap3A_25 = tpu.vector_load %arg7[%swap3A_24] {strides = array<i32>} : memref<1024xi32, #tpu.memory_space<vmem>>, vector<16xi32>,
    tpu.vector_store %arg7[%swap3A_24], %broadcast_in_dim3A_18 {strides = array<i32>} : memref<1024xi32, #tpu.memory_space<vmem>>, vector<16xi32>,
    %swap3A_26 = arith.constant 64 : index
    %swap3A_27 = tpu.vector_load %arg7[%swap3A_26] {strides = array<i32>} : memref<1024xi32, #tpu.memory_space<vmem>>, vector<16xi32>,
    tpu.vector_store %arg7[%swap3A_26], %broadcast_in_dim3A_18 {strides = array<i32>} : memref<1024xi32, #tpu.memory_space<vmem>>, vector<16xi32>,
    %swap3A_28 = arith.constant 80 : index
    %swap3A_29 = tpu.vector_load %arg7[%swap3A_28] {strides = array<i32>} : memref<1024xi32, #tpu.memory_space<vmem>>, vector<16xi32>,
    tpu.vector_store %arg7[%swap3A_28], %broadcast_in_dim3A_18 {strides = array<i32>} : memref<1024xi32, #tpu.memory_space<vmem>>, vector<16xi32>,
    %swap3A_30 = arith.constant 96 : index
    %swap3A_31 = tpu.vector_load %arg7[%swap3A_30] {strides = array<i32>} : memref<1024xi32, #tpu.memory_space<vmem>>, vector<16xi32>,
    tpu.vector_store %arg7[%swap3A_30], %broadcast_in_dim3A_18 {strides = array<i32>} : memref<1024xi32, #tpu.memory_space<vmem>>, vector<16xi32>,
    %swap3A_32 = arith.constant 112 : index
    %swap3A_33 = tpu.vector_load %arg7[%swap3A_32] {strides = array<i32>} : memref<1024xi32, #tpu.memory_space<vmem>>, vector<16xi32>,
    tpu.vector_store %arg7[%swap3A_32], %broadcast_in_dim3A_18 {strides = array<i32>} : memref<1024xi32, #tpu.memory_space<vmem>>, vector<16xi32>,
    %swap3A_34 = arith.constant 128 : index
    %swap3A_35 = tpu.vector_load %arg7[%swap3A_34] {strides = array<i32>} : memref<1024xi32, #tpu.memory_space<vmem>>, vector<16xi32>,
    tpu.vector_store %arg7[%swap3A_34], %broadcast_in_dim3A_18 {strides = array<i32>} : memref<1024xi32, #tpu.memory_space<vmem>>, vector<16xi32>,
    %swap3A_36 = arith.constant 144 : index
    %swap3A_37 = tpu.vector_load %arg7[%swap3A_36] {strides = array<i32>} : memref<1024xi32, #tpu.memory_space<vmem>>, vector<16xi32>,
    tpu.vector_store %arg7[%swap3A_36], %broadcast_in_dim3A_18 {strides = array<i32>} : memref<1024xi32, #tpu.memory_space<vmem>>, vector<16xi32>,
    %swap3A_38 = arith.constant 256 : index
    %swap3A_39 = tpu.vector_load %arg7[%swap3A_38] {strides = array<i32>} : memref<1024xi32, #tpu.memory_space<vmem>>, vector<16xi32>,
    tpu.vector_store %arg7[%swap3A_38], %broadcast_in_dim3A_18 {strides = array<i32>} : memref<1024xi32, #tpu.memory_space<vmem>>, vector<16xi32>,
    %swap3A_40 = arith.constant 272 : index
    %swap3A_41 = tpu.vector_load %arg7[%swap3A_40] {strides = array<i32>} : memref<1024xi32, #tpu.memory_space<vmem>>, vector<16xi32>,
    tpu.vector_store %arg7[%swap3A_40], %broadcast_in_dim3A_18 {strides = array<i32>} : memref<1024xi32, #tpu.memory_space<vmem>>, vector<16xi32>,
    %swap3A_42 = arith.constant 288 : index
    %swap3A_43 = tpu.vector_load %arg7[%swap3A_42] {strides = array<i32>} : memref<1024xi32, #tpu.memory_space<vmem>>, vector<16xi32>,
    tpu.vector_store %arg7[%swap3A_42], %broadcast_in_dim3A_18 {strides = array<i32>} : memref<1024xi32, #tpu.memory_space<vmem>>, vector<16xi32>,
    %swap3A_44 = arith.constant 304 : index
    %swap3A_45 = tpu.vector_load %arg7[%swap3A_44] {strides = array<i32>} : memref<1024xi32, #tpu.memory_space<vmem>>, vector<16xi32>,
    tpu.vector_store %arg7[%swap3A_44], %broadcast_in_dim3A_18 {strides = array<i32>} : memref<1024xi32, #tpu.memory_space<vmem>>, vector<16xi32>,
    %swap3A_46 = arith.constant 320 : index
    %swap3A_47 = tpu.vector_load %arg7[%swap3A_46] {strides = array<i32>} : memref<1024xi32, #tpu.memory_space<vmem>>, vector<16xi32>,
    tpu.vector_store %arg7[%swap3A_46], %broadcast_in_dim3A_18 {strides = array<i32>} : memref<1024xi32, #tpu.memory_space<vmem>>, vector<16xi32>,
    %swap3A_48 = arith.constant 336 : index
    %swap3A_49 = tpu.vector_load %arg7[%swap3A_48] {strides = array<i32>} : memref<1024xi32, #tpu.memory_space<vmem>>, vector<16xi32>,
    tpu.vector_store %arg7[%swap3A_48], %broadcast_in_dim3A_18 {strides = array<i32>} : memref<1024xi32, #tpu.memory_space<vmem>>, vector<16xi32>,
    %swap3A_50 = arith.constant 352 : index
    %swap3A_51 = tpu.vector_load %arg7[%swap3A_50] {strides = array<i32>} : memref<1024xi32, #tpu.memory_space<vmem>>, vector<16xi32>,
    tpu.vector_store %arg7[%swap3A_50], %broadcast_in_dim3A_18 {strides = array<i32>} : memref<1024xi32, #tpu.memory_space<vmem>>, vector<16xi32>,
    %swap3A_52 = arith.constant 368 : index
    %swap3A_53 = tpu.vector_load %arg7[%swap3A_52] {strides = array<i32>} : memref<1024xi32, #tpu.memory_space<vmem>>, vector<16xi32>,
    tpu.vector_store %arg7[%swap3A_52], %broadcast_in_dim3A_18 {strides = array<i32>} : memref<1024xi32, #tpu.memory_space<vmem>>, vector<16xi32>,
    %swap3A_54 = arith.constant 384 : index
    %swap3A_55 = tpu.vector_load %arg7[%swap3A_54] {strides = array<i32>} : memref<1024xi32, #tpu.memory_space<vmem>>, vector<16xi32>,
    tpu.vector_store %arg7[%swap3A_54], %broadcast_in_dim3A_18 {strides = array<i32>} : memref<1024xi32, #tpu.memory_space<vmem>>, vector<16xi32>,
    %swap3A_56 = arith.constant 400 : index
    %swap3A_57 = tpu.vector_load %arg7[%swap3A_56] {strides = array<i32>} : memref<1024xi32, #tpu.memory_space<vmem>>, vector<16xi32>,
    tpu.vector_store %arg7[%swap3A_56], %broadcast_in_dim3A_18 {strides = array<i32>} : memref<1024xi32, #tpu.memory_space<vmem>>, vector<16xi32>,
    %swap3A_58 = arith.constant 512 : index
    %swap3A_59 = tpu.vector_load %arg7[%swap3A_58] {strides = array<i32>} : memref<1024xi32, #tpu.memory_space<vmem>>, vector<16xi32>,
    tpu.vector_store %arg7[%swap3A_58], %broadcast_in_dim3A_18 {strides = array<i32>} : memref<1024xi32, #tpu.memory_space<vmem>>, vector<16xi32>,
    %swap3A_60 = arith.constant 528 : index
    %swap3A_61 = tpu.vector_load %arg7[%swap3A_60] {strides = array<i32>} : memref<1024xi32, #tpu.memory_space<vmem>>, vector<16xi32>,
    tpu.vector_store %arg7[%swap3A_60], %broadcast_in_dim3A_18 {strides = array<i32>} : memref<1024xi32, #tpu.memory_space<vmem>>, vector<16xi32>,
    %swap3A_62 = arith.constant 544 : index
    %swap3A_63 = tpu.vector_load %arg7[%swap3A_62] {strides = array<i32>} : memref<1024xi32, #tpu.memory_space<vmem>>, vector<16xi32>,
    tpu.vector_store %arg7[%swap3A_62], %broadcast_in_dim3A_18 {strides = array<i32>} : memref<1024xi32, #tpu.memory_space<vmem>>, vector<16xi32>,
    %swap3A_64 = arith.constant 560 : index
    %swap3A_65 = tpu.vector_load %arg7[%swap3A_64] {strides = array<i32>} : memref<1024xi32, #tpu.memory_space<vmem>>, vector<16xi32>,
    tpu.vector_store %arg7[%swap3A_64], %broadcast_in_dim3A_18 {strides = array<i32>} : memref<1024xi32, #tpu.memory_space<vmem>>, vector<16xi32>,
    %swap3A_66 = arith.constant 576 : index
    %swap3A_67 = tpu.vector_load %arg7[%swap3A_66] {strides = array<i32>} : memref<1024xi32, #tpu.memory_space<vmem>>, vector<16xi32>,
    tpu.vector_store %arg7[%swap3A_66], %broadcast_in_dim3A_18 {strides = array<i32>} : memref<1024xi32, #tpu.memory_space<vmem>>, vector<16xi32>,
    %swap3A_68 = arith.constant 592 : index
    %swap3A_69 = tpu.vector_load %arg7[%swap3A_68] {strides = array<i32>} : memref<1024xi32, #tpu.memory_space<vmem>>, vector<16xi32>,
    tpu.vector_store %arg7[%swap3A_68], %broadcast_in_dim3A_18 {strides = array<i32>} : memref<1024xi32, #tpu.memory_space<vmem>>, vector<16xi32>,
    %swap3A_70 = arith.constant 608 : index
    %swap3A_71 = tpu.vector_load %arg7[%swap3A_70] {strides = array<i32>} : memref<1024xi32, #tpu.memory_space<vmem>>, vector<16xi32>,
    tpu.vector_store %arg7[%swap3A_70], %broadcast_in_dim3A_18 {strides = array<i32>} : memref<1024xi32, #tpu.memory_space<vmem>>, vector<16xi32>,
    %swap3A_72 = arith.constant 624 : index
    %swap3A_73 = tpu.vector_load %arg7[%swap3A_72] {strides = array<i32>} : memref<1024xi32, #tpu.memory_space<vmem>>, vector<16xi32>,
    tpu.vector_store %arg7[%swap3A_72], %broadcast_in_dim3A_18 {strides = array<i32>} : memref<1024xi32, #tpu.memory_space<vmem>>, vector<16xi32>,
    %swap3A_74 = arith.constant 640 : index
    %swap3A_75 = tpu.vector_load %arg7[%swap3A_74] {strides = array<i32>} : memref<1024xi32, #tpu.memory_space<vmem>>, vector<16xi32>,
    tpu.vector_store %arg7[%swap3A_74], %broadcast_in_dim3A_18 {strides = array<i32>} : memref<1024xi32, #tpu.memory_space<vmem>>, vector<16xi32>,
    %swap3A_76 = arith.constant 656 : index
    %swap3A_77 = tpu.vector_load %arg7[%swap3A_76] {strides = array<i32>} : memref<1024xi32, #tpu.memory_space<vmem>>, vector<16xi32>,
    tpu.vector_store %arg7[%swap3A_76], %broadcast_in_dim3A_18 {strides = array<i32>} : memref<1024xi32, #tpu.memory_space<vmem>>, vector<16xi32>,
    %swap3A_78 = arith.constant 768 : index
    %swap3A_79 = tpu.vector_load %arg7[%swap3A_78] {strides = array<i32>} : memref<1024xi32, #tpu.memory_space<vmem>>, vector<16xi32>,
    tpu.vector_store %arg7[%swap3A_78], %broadcast_in_dim3A_18 {strides = array<i32>} : memref<1024xi32, #tpu.memory_space<vmem>>, vector<16xi32>,
    %swap3A_80 = arith.constant 784 : index
    %swap3A_81 = tpu.vector_load %arg7[%swap3A_80] {strides = array<i32>} : memref<1024xi32, #tpu.memory_space<vmem>>, vector<16xi32>,
    tpu.vector_store %arg7[%swap3A_80], %broadcast_in_dim3A_18 {strides = array<i32>} : memref<1024xi32, #tpu.memory_space<vmem>>, vector<16xi32>,
    %swap3A_82 = arith.constant 800 : index
    %swap3A_83 = tpu.vector_load %arg7[%swap3A_82] {strides = array<i32>} : memref<1024xi32, #tpu.memory_space<vmem>>, vector<16xi32>,
    tpu.vector_store %arg7[%swap3A_82], %broadcast_in_dim3A_18 {strides = array<i32>} : memref<1024xi32, #tpu.memory_space<vmem>>, vector<16xi32>,
    %swap3A_84 = arith.constant 816 : index
    %swap3A_85 = tpu.vector_load %arg7[%swap3A_84] {strides = array<i32>} : memref<1024xi32, #tpu.memory_space<vmem>>, vector<16xi32>,
    tpu.vector_store %arg7[%swap3A_84], %broadcast_in_dim3A_18 {strides = array<i32>} : memref<1024xi32, #tpu.memory_space<vmem>>, vector<16xi32>,
    %swap3A_86 = arith.constant 832 : index
    %swap3A_87 = tpu.vector_load %arg7[%swap3A_86] {strides = array<i32>} : memref<1024xi32, #tpu.memory_space<vmem>>, vector<16xi32>,
    tpu.vector_store %arg7[%swap3A_86], %broadcast_in_dim3A_18 {strides = array<i32>} : memref<1024xi32, #tpu.memory_space<vmem>>, vector<16xi32>,
    %swap3A_88 = arith.constant 848 : index
    %swap3A_89 = tpu.vector_load %arg7[%swap3A_88] {strides = array<i32>} : memref<1024xi32, #tpu.memory_space<vmem>>, vector<16xi32>,
    tpu.vector_store %arg7[%swap3A_88], %broadcast_in_dim3A_18 {strides = array<i32>} : memref<1024xi32, #tpu.memory_space<vmem>>, vector<16xi32>,
    %swap3A_90 = arith.constant 864 : index
    %swap3A_91 = tpu.vector_load %arg7[%swap3A_90] {strides = array<i32>} : memref<1024xi32, #tpu.memory_space<vmem>>, vector<16xi32>,
    tpu.vector_store %arg7[%swap3A_90], %broadcast_in_dim3A_18 {strides = array<i32>} : memref<1024xi32, #tpu.memory_space<vmem>>, vector<16xi32>,
    %swap3A_92 = arith.constant 880 : index
    %swap3A_93 = tpu.vector_load %arg7[%swap3A_92] {strides = array<i32>} : memref<1024xi32, #tpu.memory_space<vmem>>, vector<16xi32>,
    tpu.vector_store %arg7[%swap3A_92], %broadcast_in_dim3A_18 {strides = array<i32>} : memref<1024xi32, #tpu.memory_space<vmem>>, vector<16xi32>,
    %swap3A_94 = arith.constant 896 : index
    %swap3A_95 = tpu.vector_load %arg7[%swap3A_94] {strides = array<i32>} : memref<1024xi32, #tpu.memory_space<vmem>>, vector<16xi32>,
    tpu.vector_store %arg7[%swap3A_94], %broadcast_in_dim3A_18 {strides = array<i32>} : memref<1024xi32, #tpu.memory_space<vmem>>, vector<16xi32>,
    %swap3A_96 = arith.constant 912 : index
    %swap3A_97 = tpu.vector_load %arg7[%swap3A_96] {strides = array<i32>} : memref<1024xi32, #tpu.memory_space<vmem>>, vector<16xi32>,
    tpu.vector_store %arg7[%swap3A_96], %broadcast_in_dim3A_18 {strides = array<i32>} : memref<1024xi32, #tpu.memory_space<vmem>>, vector<16xi32>,
    "tpu.trace_stop"() : () -> ()
    %iota3A = tpu.iota {dimensions = array<i32: 0>} : vector<16xi32>
    %broadcast_in_dim3A_98 = arith.constant 1 : i32
    %broadcast_in_dim3A_99 = vector.broadcast %broadcast_in_dim3A_98 : i32 to vector<16xi32>
    %add3A_100 = arith.constant 0 : i32
    %add3A_101 = vector.broadcast %add3A_100 : i32 to vector<16xi32>
    %add3A_102 = arith.addi %iota3A, %add3A_101 : vector<16xi32>
    %add3A_103 = arith.constant 256 : i32
    %add3A_104 = vector.broadcast %add3A_103 : i32 to vector<16xi32>
    %add3A_105 = arith.addi %iota3A, %add3A_104 : vector<16xi32>
    %add3A_106 = arith.constant 512 : i32
    %add3A_107 = vector.broadcast %add3A_106 : i32 to vector<16xi32>
    %add3A_108 = arith.addi %iota3A, %add3A_107 : vector<16xi32>
    %add3A_109 = arith.constant 768 : i32
    %add3A_110 = vector.broadcast %add3A_109 : i32 to vector<16xi32>
    %add3A_111 = arith.addi %iota3A, %add3A_110 : vector<16xi32>
    "tpu.trace_start"() <{level = 10 : i32, message = "sc_wait0"}> : () -> ()
    %dma_wait3A = arith.constant 0 : i32
    %dma_wait3A_112 = tpu.memref_slice %arg5[%dma_wait3A] : memref<16384xi32, #tpu.memory_space<vmem>> -> memref<8192xi32, #tpu.memory_space<vmem>>
    %dma_wait3A_113 = tpu.memref_slice %arg2[%add3A_4] : memref<1048576xi32, #tpu.memory_space<hbm>> -> memref<8192xi32, #tpu.memory_space<hbm>>
    %dma_wait3A_114 = arith.constant 0 : i32
    %dma_wait3A_115 = tpu.memref_slice %arg5[%dma_wait3A_114] : memref<16384xi32, #tpu.memory_space<vmem>> -> memref<8192xi32, #tpu.memory_space<vmem>>
    %dma_wait3A_116 = tpu.memref_slice %arg2[%add3A_4] : memref<1048576xi32, #tpu.memory_space<hbm>> -> memref<8192xi32, #tpu.memory_space<hbm>>
    tpu.wait_dma2 semaphore(%arg9 : memref<!tpu.dma_semaphore, #tpu.memory_space<semaphore_mem>>) src(%dma_wait3A_116 : memref<8192xi32, #tpu.memory_space<hbm>>) dst(%dma_wait3A_115 : memref<8192xi32, #tpu.memory_space<vmem>>)
    %parallel_loop3A = arith.constant 0 : i32
    %parallel_loop3A_117 = arith.constant 512 : i32
    %parallel_loop3A_118 = arith.constant 4 : i32
    "tpu.trace_stop"() : () -> ()
    "tpu.trace_start"() <{level = 10 : i32, message = "sc_hist0"}> : () -> ()
    scf.for %parallel_loop3A_396 = %parallel_loop3A to %parallel_loop3A_117 step %parallel_loop3A_118  : i32 {
      %parallel_loop3A_397 = arith.constant 0 : i32
      %parallel_loop3A_398 = arith.addi %parallel_loop3A_396, %parallel_loop3A_397 : i32
      %parallel_loop3A_399 = arith.constant 16 : i32
      %parallel_loop3A_400 = arith.muli %parallel_loop3A_398, %parallel_loop3A_399 : i32
      %parallel_loop3A_401 = arith.constant 0 : i32
      %parallel_loop3A_402 = arith.addi %parallel_loop3A_401, %parallel_loop3A_400 : i32
      %parallel_loop3A_403 = arith.index_cast %parallel_loop3A_402 : i32 to index
      %parallel_loop3A_404 = tpu.vector_load %arg5[%parallel_loop3A_403] {strides = array<i32>} : memref<16384xi32, #tpu.memory_space<vmem>>, vector<16xi32>,
      %parallel_loop3A_405 = arith.constant 4 : i32
      %parallel_loop3A_406 = vector.broadcast %parallel_loop3A_405 : i32 to vector<16xi32>
      %parallel_loop3A_407 = arith.shli %parallel_loop3A_404, %parallel_loop3A_406 : vector<16xi32>
      %parallel_loop3A_408 = arith.addi %parallel_loop3A_407, %add3A_102 : vector<16xi32>
      tpu.vector_store_idx %arg7[%parallel_loop3A_408], %broadcast_in_dim3A_99 {add = true} : memref<1024xi32, #tpu.memory_space<vmem>>[vector<16xi32>], vector<16xi32>,
      %parallel_loop3A_409 = arith.constant 1 : i32
      %parallel_loop3A_410 = arith.addi %parallel_loop3A_396, %parallel_loop3A_409 : i32
      %parallel_loop3A_411 = arith.constant 16 : i32
      %parallel_loop3A_412 = arith.muli %parallel_loop3A_410, %parallel_loop3A_411 : i32
      %parallel_loop3A_413 = arith.constant 0 : i32
      %parallel_loop3A_414 = arith.addi %parallel_loop3A_413, %parallel_loop3A_412 : i32
      %parallel_loop3A_415 = arith.index_cast %parallel_loop3A_414 : i32 to index
      %parallel_loop3A_416 = tpu.vector_load %arg5[%parallel_loop3A_415] {strides = array<i32>} : memref<16384xi32, #tpu.memory_space<vmem>>, vector<16xi32>,
      %parallel_loop3A_417 = arith.constant 4 : i32
      %parallel_loop3A_418 = vector.broadcast %parallel_loop3A_417 : i32 to vector<16xi32>
      %parallel_loop3A_419 = arith.shli %parallel_loop3A_416, %parallel_loop3A_418 : vector<16xi32>
      %parallel_loop3A_420 = arith.addi %parallel_loop3A_419, %add3A_105 : vector<16xi32>
      tpu.vector_store_idx %arg7[%parallel_loop3A_420], %broadcast_in_dim3A_99 {add = true} : memref<1024xi32, #tpu.memory_space<vmem>>[vector<16xi32>], vector<16xi32>,
      %parallel_loop3A_421 = arith.constant 2 : i32
      %parallel_loop3A_422 = arith.addi %parallel_loop3A_396, %parallel_loop3A_421 : i32
      %parallel_loop3A_423 = arith.constant 16 : i32
      %parallel_loop3A_424 = arith.muli %parallel_loop3A_422, %parallel_loop3A_423 : i32
      %parallel_loop3A_425 = arith.constant 0 : i32
      %parallel_loop3A_426 = arith.addi %parallel_loop3A_425, %parallel_loop3A_424 : i32
      %parallel_loop3A_427 = arith.index_cast %parallel_loop3A_426 : i32 to index
      %parallel_loop3A_428 = tpu.vector_load %arg5[%parallel_loop3A_427] {strides = array<i32>} : memref<16384xi32, #tpu.memory_space<vmem>>, vector<16xi32>,
      %parallel_loop3A_429 = arith.constant 4 : i32
      %parallel_loop3A_430 = vector.broadcast %parallel_loop3A_429 : i32 to vector<16xi32>
      %parallel_loop3A_431 = arith.shli %parallel_loop3A_428, %parallel_loop3A_430 : vector<16xi32>
      %parallel_loop3A_432 = arith.addi %parallel_loop3A_431, %add3A_108 : vector<16xi32>
      tpu.vector_store_idx %arg7[%parallel_loop3A_432], %broadcast_in_dim3A_99 {add = true} : memref<1024xi32, #tpu.memory_space<vmem>>[vector<16xi32>], vector<16xi32>,
      %parallel_loop3A_433 = arith.constant 3 : i32
      %parallel_loop3A_434 = arith.addi %parallel_loop3A_396, %parallel_loop3A_433 : i32
      %parallel_loop3A_435 = arith.constant 16 : i32
      %parallel_loop3A_436 = arith.muli %parallel_loop3A_434, %parallel_loop3A_435 : i32
      %parallel_loop3A_437 = arith.constant 0 : i32
      %parallel_loop3A_438 = arith.addi %parallel_loop3A_437, %parallel_loop3A_436 : i32
      %parallel_loop3A_439 = arith.index_cast %parallel_loop3A_438 : i32 to index
      %parallel_loop3A_440 = tpu.vector_load %arg5[%parallel_loop3A_439] {strides = array<i32>} : memref<16384xi32, #tpu.memory_space<vmem>>, vector<16xi32>,
      %parallel_loop3A_441 = arith.constant 4 : i32
      %parallel_loop3A_442 = vector.broadcast %parallel_loop3A_441 : i32 to vector<16xi32>
      %parallel_loop3A_443 = arith.shli %parallel_loop3A_440, %parallel_loop3A_442 : vector<16xi32>
      %parallel_loop3A_444 = arith.addi %parallel_loop3A_443, %add3A_111 : vector<16xi32>
      tpu.vector_store_idx %arg7[%parallel_loop3A_444], %broadcast_in_dim3A_99 {add = true} : memref<1024xi32, #tpu.memory_space<vmem>>[vector<16xi32>], vector<16xi32>,
    } {sc.loop_unroll_factor = 2 : i64, sc.parallel_access}
    "tpu.trace_stop"() : () -> ()
    %add3A_119 = arith.constant 16384 : i32
    %add3A_120 = arith.addi %mul3A_2, %add3A_119 : i32
    %dma_start3A_121 = arith.constant 0 : i32
    %dma_start3A_122 = tpu.memref_slice %arg5[%dma_start3A_121] : memref<16384xi32, #tpu.memory_space<vmem>> -> memref<8192xi32, #tpu.memory_space<vmem>>
    %dma_start3A_123 = tpu.memref_slice %arg2[%add3A_120] : memref<1048576xi32, #tpu.memory_space<hbm>> -> memref<8192xi32, #tpu.memory_space<hbm>>
    %dma_start3A_124 = arith.constant 0 : i32
    %dma_start3A_125 = tpu.memref_slice %arg5[%dma_start3A_124] : memref<16384xi32, #tpu.memory_space<vmem>> -> memref<8192xi32, #tpu.memory_space<vmem>>
    %dma_start3A_126 = tpu.memref_slice %arg2[%add3A_120] : memref<1048576xi32, #tpu.memory_space<hbm>> -> memref<8192xi32, #tpu.memory_space<hbm>>
    tpu.enqueue_dma source(%dma_start3A_126 : memref<8192xi32, #tpu.memory_space<hbm>>) target(%dma_start3A_125 : memref<8192xi32, #tpu.memory_space<vmem>>) target_semaphore(%arg9 : memref<!tpu.dma_semaphore, #tpu.memory_space<semaphore_mem>>)
    "tpu.trace_start"() <{level = 10 : i32, message = "sc_wait1"}> : () -> ()
    %dma_wait3A_127 = arith.constant 8192 : i32
    %dma_wait3A_128 = tpu.memref_slice %arg5[%dma_wait3A_127] : memref<16384xi32, #tpu.memory_space<vmem>> -> memref<8192xi32, #tpu.memory_space<vmem>>
    %dma_wait3A_129 = tpu.memref_slice %arg2[%add3A_11] : memref<1048576xi32, #tpu.memory_space<hbm>> -> memref<8192xi32, #tpu.memory_space<hbm>>
    %dma_wait3A_130 = arith.constant 8192 : i32
    %dma_wait3A_131 = tpu.memref_slice %arg5[%dma_wait3A_130] : memref<16384xi32, #tpu.memory_space<vmem>> -> memref<8192xi32, #tpu.memory_space<vmem>>
    %dma_wait3A_132 = tpu.memref_slice %arg2[%add3A_11] : memref<1048576xi32, #tpu.memory_space<hbm>> -> memref<8192xi32, #tpu.memory_space<hbm>>
    tpu.wait_dma2 semaphore(%arg10 : memref<!tpu.dma_semaphore, #tpu.memory_space<semaphore_mem>>) src(%dma_wait3A_132 : memref<8192xi32, #tpu.memory_space<hbm>>) dst(%dma_wait3A_131 : memref<8192xi32, #tpu.memory_space<vmem>>)
    %parallel_loop3A_133 = arith.constant 0 : i32
    %parallel_loop3A_134 = arith.constant 512 : i32
    %parallel_loop3A_135 = arith.constant 4 : i32
    "tpu.trace_stop"() : () -> ()
    "tpu.trace_start"() <{level = 10 : i32, message = "sc_hist1"}> : () -> ()
    scf.for %parallel_loop3A_396 = %parallel_loop3A_133 to %parallel_loop3A_134 step %parallel_loop3A_135  : i32 {
      %parallel_loop3A_397 = arith.constant 0 : i32
      %parallel_loop3A_398 = arith.addi %parallel_loop3A_396, %parallel_loop3A_397 : i32
      %parallel_loop3A_399 = arith.constant 16 : i32
      %parallel_loop3A_400 = arith.muli %parallel_loop3A_398, %parallel_loop3A_399 : i32
      %parallel_loop3A_401 = arith.constant 8192 : i32
      %parallel_loop3A_402 = arith.addi %parallel_loop3A_401, %parallel_loop3A_400 : i32
      %parallel_loop3A_403 = arith.index_cast %parallel_loop3A_402 : i32 to index
      %parallel_loop3A_404 = tpu.vector_load %arg5[%parallel_loop3A_403] {strides = array<i32>} : memref<16384xi32, #tpu.memory_space<vmem>>, vector<16xi32>,
      %parallel_loop3A_405 = arith.constant 4 : i32
      %parallel_loop3A_406 = vector.broadcast %parallel_loop3A_405 : i32 to vector<16xi32>
      %parallel_loop3A_407 = arith.shli %parallel_loop3A_404, %parallel_loop3A_406 : vector<16xi32>
      %parallel_loop3A_408 = arith.addi %parallel_loop3A_407, %add3A_102 : vector<16xi32>
      tpu.vector_store_idx %arg7[%parallel_loop3A_408], %broadcast_in_dim3A_99 {add = true} : memref<1024xi32, #tpu.memory_space<vmem>>[vector<16xi32>], vector<16xi32>,
      %parallel_loop3A_409 = arith.constant 1 : i32
      %parallel_loop3A_410 = arith.addi %parallel_loop3A_396, %parallel_loop3A_409 : i32
      %parallel_loop3A_411 = arith.constant 16 : i32
      %parallel_loop3A_412 = arith.muli %parallel_loop3A_410, %parallel_loop3A_411 : i32
      %parallel_loop3A_413 = arith.constant 8192 : i32
      %parallel_loop3A_414 = arith.addi %parallel_loop3A_413, %parallel_loop3A_412 : i32
      %parallel_loop3A_415 = arith.index_cast %parallel_loop3A_414 : i32 to index
      %parallel_loop3A_416 = tpu.vector_load %arg5[%parallel_loop3A_415] {strides = array<i32>} : memref<16384xi32, #tpu.memory_space<vmem>>, vector<16xi32>,
      %parallel_loop3A_417 = arith.constant 4 : i32
      %parallel_loop3A_418 = vector.broadcast %parallel_loop3A_417 : i32 to vector<16xi32>
      %parallel_loop3A_419 = arith.shli %parallel_loop3A_416, %parallel_loop3A_418 : vector<16xi32>
      %parallel_loop3A_420 = arith.addi %parallel_loop3A_419, %add3A_105 : vector<16xi32>
      tpu.vector_store_idx %arg7[%parallel_loop3A_420], %broadcast_in_dim3A_99 {add = true} : memref<1024xi32, #tpu.memory_space<vmem>>[vector<16xi32>], vector<16xi32>,
      %parallel_loop3A_421 = arith.constant 2 : i32
      %parallel_loop3A_422 = arith.addi %parallel_loop3A_396, %parallel_loop3A_421 : i32
      %parallel_loop3A_423 = arith.constant 16 : i32
      %parallel_loop3A_424 = arith.muli %parallel_loop3A_422, %parallel_loop3A_423 : i32
      %parallel_loop3A_425 = arith.constant 8192 : i32
      %parallel_loop3A_426 = arith.addi %parallel_loop3A_425, %parallel_loop3A_424 : i32
      %parallel_loop3A_427 = arith.index_cast %parallel_loop3A_426 : i32 to index
      %parallel_loop3A_428 = tpu.vector_load %arg5[%parallel_loop3A_427] {strides = array<i32>} : memref<16384xi32, #tpu.memory_space<vmem>>, vector<16xi32>,
      %parallel_loop3A_429 = arith.constant 4 : i32
      %parallel_loop3A_430 = vector.broadcast %parallel_loop3A_429 : i32 to vector<16xi32>
      %parallel_loop3A_431 = arith.shli %parallel_loop3A_428, %parallel_loop3A_430 : vector<16xi32>
      %parallel_loop3A_432 = arith.addi %parallel_loop3A_431, %add3A_108 : vector<16xi32>
      tpu.vector_store_idx %arg7[%parallel_loop3A_432], %broadcast_in_dim3A_99 {add = true} : memref<1024xi32, #tpu.memory_space<vmem>>[vector<16xi32>], vector<16xi32>,
      %parallel_loop3A_433 = arith.constant 3 : i32
      %parallel_loop3A_434 = arith.addi %parallel_loop3A_396, %parallel_loop3A_433 : i32
      %parallel_loop3A_435 = arith.constant 16 : i32
      %parallel_loop3A_436 = arith.muli %parallel_loop3A_434, %parallel_loop3A_435 : i32
      %parallel_loop3A_437 = arith.constant 8192 : i32
      %parallel_loop3A_438 = arith.addi %parallel_loop3A_437, %parallel_loop3A_436 : i32
      %parallel_loop3A_439 = arith.index_cast %parallel_loop3A_438 : i32 to index
      %parallel_loop3A_440 = tpu.vector_load %arg5[%parallel_loop3A_439] {strides = array<i32>} : memref<16384xi32, #tpu.memory_space<vmem>>, vector<16xi32>,
      %parallel_loop3A_441 = arith.constant 4 : i32
      %parallel_loop3A_442 = vector.broadcast %parallel_loop3A_441 : i32 to vector<16xi32>
      %parallel_loop3A_443 = arith.shli %parallel_loop3A_440, %parallel_loop3A_442 : vector<16xi32>
      %parallel_loop3A_444 = arith.addi %parallel_loop3A_443, %add3A_111 : vector<16xi32>
      tpu.vector_store_idx %arg7[%parallel_loop3A_444], %broadcast_in_dim3A_99 {add = true} : memref<1024xi32, #tpu.memory_space<vmem>>[vector<16xi32>], vector<16xi32>,
    } {sc.loop_unroll_factor = 2 : i64, sc.parallel_access}
    "tpu.trace_stop"() : () -> ()
    %add3A_136 = arith.constant 24576 : i32
    %add3A_137 = arith.addi %mul3A_2, %add3A_136 : i32
    %dma_start3A_138 = arith.constant 8192 : i32
    %dma_start3A_139 = tpu.memref_slice %arg5[%dma_start3A_138] : memref<16384xi32, #tpu.memory_space<vmem>> -> memref<8192xi32, #tpu.memory_space<vmem>>
    %dma_start3A_140 = tpu.memref_slice %arg2[%add3A_137] : memref<1048576xi32, #tpu.memory_space<hbm>> -> memref<8192xi32, #tpu.memory_space<hbm>>
    %dma_start3A_141 = arith.constant 8192 : i32
    %dma_start3A_142 = tpu.memref_slice %arg5[%dma_start3A_141] : memref<16384xi32, #tpu.memory_space<vmem>> -> memref<8192xi32, #tpu.memory_space<vmem>>
    %dma_start3A_143 = tpu.memref_slice %arg2[%add3A_137] : memref<1048576xi32, #tpu.memory_space<hbm>> -> memref<8192xi32, #tpu.memory_space<hbm>>
    tpu.enqueue_dma source(%dma_start3A_143 : memref<8192xi32, #tpu.memory_space<hbm>>) target(%dma_start3A_142 : memref<8192xi32, #tpu.memory_space<vmem>>) target_semaphore(%arg10 : memref<!tpu.dma_semaphore, #tpu.memory_space<semaphore_mem>>)
    "tpu.trace_start"() <{level = 10 : i32, message = "sc_wait2"}> : () -> ()
    %dma_wait3A_144 = arith.constant 0 : i32
    %dma_wait3A_145 = tpu.memref_slice %arg5[%dma_wait3A_144] : memref<16384xi32, #tpu.memory_space<vmem>> -> memref<8192xi32, #tpu.memory_space<vmem>>
    %dma_wait3A_146 = tpu.memref_slice %arg2[%add3A_120] : memref<1048576xi32, #tpu.memory_space<hbm>> -> memref<8192xi32, #tpu.memory_space<hbm>>
    %dma_wait3A_147 = arith.constant 0 : i32
    %dma_wait3A_148 = tpu.memref_slice %arg5[%dma_wait3A_147] : memref<16384xi32, #tpu.memory_space<vmem>> -> memref<8192xi32, #tpu.memory_space<vmem>>
    %dma_wait3A_149 = tpu.memref_slice %arg2[%add3A_120] : memref<1048576xi32, #tpu.memory_space<hbm>> -> memref<8192xi32, #tpu.memory_space<hbm>>
    tpu.wait_dma2 semaphore(%arg9 : memref<!tpu.dma_semaphore, #tpu.memory_space<semaphore_mem>>) src(%dma_wait3A_149 : memref<8192xi32, #tpu.memory_space<hbm>>) dst(%dma_wait3A_148 : memref<8192xi32, #tpu.memory_space<vmem>>)
    %parallel_loop3A_150 = arith.constant 0 : i32
    %parallel_loop3A_151 = arith.constant 512 : i32
    %parallel_loop3A_152 = arith.constant 4 : i32
    "tpu.trace_stop"() : () -> ()
    "tpu.trace_start"() <{level = 10 : i32, message = "sc_hist2"}> : () -> ()
    scf.for %parallel_loop3A_396 = %parallel_loop3A_150 to %parallel_loop3A_151 step %parallel_loop3A_152  : i32 {
      %parallel_loop3A_397 = arith.constant 0 : i32
      %parallel_loop3A_398 = arith.addi %parallel_loop3A_396, %parallel_loop3A_397 : i32
      %parallel_loop3A_399 = arith.constant 16 : i32
      %parallel_loop3A_400 = arith.muli %parallel_loop3A_398, %parallel_loop3A_399 : i32
      %parallel_loop3A_401 = arith.constant 0 : i32
      %parallel_loop3A_402 = arith.addi %parallel_loop3A_401, %parallel_loop3A_400 : i32
      %parallel_loop3A_403 = arith.index_cast %parallel_loop3A_402 : i32 to index
      %parallel_loop3A_404 = tpu.vector_load %arg5[%parallel_loop3A_403] {strides = array<i32>} : memref<16384xi32, #tpu.memory_space<vmem>>, vector<16xi32>,
      %parallel_loop3A_405 = arith.constant 4 : i32
      %parallel_loop3A_406 = vector.broadcast %parallel_loop3A_405 : i32 to vector<16xi32>
      %parallel_loop3A_407 = arith.shli %parallel_loop3A_404, %parallel_loop3A_406 : vector<16xi32>
      %parallel_loop3A_408 = arith.addi %parallel_loop3A_407, %add3A_102 : vector<16xi32>
      tpu.vector_store_idx %arg7[%parallel_loop3A_408], %broadcast_in_dim3A_99 {add = true} : memref<1024xi32, #tpu.memory_space<vmem>>[vector<16xi32>], vector<16xi32>,
      %parallel_loop3A_409 = arith.constant 1 : i32
      %parallel_loop3A_410 = arith.addi %parallel_loop3A_396, %parallel_loop3A_409 : i32
      %parallel_loop3A_411 = arith.constant 16 : i32
      %parallel_loop3A_412 = arith.muli %parallel_loop3A_410, %parallel_loop3A_411 : i32
      %parallel_loop3A_413 = arith.constant 0 : i32
      %parallel_loop3A_414 = arith.addi %parallel_loop3A_413, %parallel_loop3A_412 : i32
      %parallel_loop3A_415 = arith.index_cast %parallel_loop3A_414 : i32 to index
      %parallel_loop3A_416 = tpu.vector_load %arg5[%parallel_loop3A_415] {strides = array<i32>} : memref<16384xi32, #tpu.memory_space<vmem>>, vector<16xi32>,
      %parallel_loop3A_417 = arith.constant 4 : i32
      %parallel_loop3A_418 = vector.broadcast %parallel_loop3A_417 : i32 to vector<16xi32>
      %parallel_loop3A_419 = arith.shli %parallel_loop3A_416, %parallel_loop3A_418 : vector<16xi32>
      %parallel_loop3A_420 = arith.addi %parallel_loop3A_419, %add3A_105 : vector<16xi32>
      tpu.vector_store_idx %arg7[%parallel_loop3A_420], %broadcast_in_dim3A_99 {add = true} : memref<1024xi32, #tpu.memory_space<vmem>>[vector<16xi32>], vector<16xi32>,
      %parallel_loop3A_421 = arith.constant 2 : i32
      %parallel_loop3A_422 = arith.addi %parallel_loop3A_396, %parallel_loop3A_421 : i32
      %parallel_loop3A_423 = arith.constant 16 : i32
      %parallel_loop3A_424 = arith.muli %parallel_loop3A_422, %parallel_loop3A_423 : i32
      %parallel_loop3A_425 = arith.constant 0 : i32
      %parallel_loop3A_426 = arith.addi %parallel_loop3A_425, %parallel_loop3A_424 : i32
      %parallel_loop3A_427 = arith.index_cast %parallel_loop3A_426 : i32 to index
      %parallel_loop3A_428 = tpu.vector_load %arg5[%parallel_loop3A_427] {strides = array<i32>} : memref<16384xi32, #tpu.memory_space<vmem>>, vector<16xi32>,
      %parallel_loop3A_429 = arith.constant 4 : i32
      %parallel_loop3A_430 = vector.broadcast %parallel_loop3A_429 : i32 to vector<16xi32>
      %parallel_loop3A_431 = arith.shli %parallel_loop3A_428, %parallel_loop3A_430 : vector<16xi32>
      %parallel_loop3A_432 = arith.addi %parallel_loop3A_431, %add3A_108 : vector<16xi32>
      tpu.vector_store_idx %arg7[%parallel_loop3A_432], %broadcast_in_dim3A_99 {add = true} : memref<1024xi32, #tpu.memory_space<vmem>>[vector<16xi32>], vector<16xi32>,
      %parallel_loop3A_433 = arith.constant 3 : i32
      %parallel_loop3A_434 = arith.addi %parallel_loop3A_396, %parallel_loop3A_433 : i32
      %parallel_loop3A_435 = arith.constant 16 : i32
      %parallel_loop3A_436 = arith.muli %parallel_loop3A_434, %parallel_loop3A_435 : i32
      %parallel_loop3A_437 = arith.constant 0 : i32
      %parallel_loop3A_438 = arith.addi %parallel_loop3A_437, %parallel_loop3A_436 : i32
      %parallel_loop3A_439 = arith.index_cast %parallel_loop3A_438 : i32 to index
      %parallel_loop3A_440 = tpu.vector_load %arg5[%parallel_loop3A_439] {strides = array<i32>} : memref<16384xi32, #tpu.memory_space<vmem>>, vector<16xi32>,
      %parallel_loop3A_441 = arith.constant 4 : i32
      %parallel_loop3A_442 = vector.broadcast %parallel_loop3A_441 : i32 to vector<16xi32>
      %parallel_loop3A_443 = arith.shli %parallel_loop3A_440, %parallel_loop3A_442 : vector<16xi32>
      %parallel_loop3A_444 = arith.addi %parallel_loop3A_443, %add3A_111 : vector<16xi32>
      tpu.vector_store_idx %arg7[%parallel_loop3A_444], %broadcast_in_dim3A_99 {add = true} : memref<1024xi32, #tpu.memory_space<vmem>>[vector<16xi32>], vector<16xi32>,
    } {sc.loop_unroll_factor = 2 : i64, sc.parallel_access}
    "tpu.trace_stop"() : () -> ()
    "tpu.trace_start"() <{level = 10 : i32, message = "sc_wait3"}> : () -> ()
    %dma_wait3A_153 = arith.constant 8192 : i32
    %dma_wait3A_154 = tpu.memref_slice %arg5[%dma_wait3A_153] : memref<16384xi32, #tpu.memory_space<vmem>> -> memref<8192xi32, #tpu.memory_space<vmem>>
    %dma_wait3A_155 = tpu.memref_slice %arg2[%add3A_137] : memref<1048576xi32, #tpu.memory_space<hbm>> -> memref<8192xi32, #tpu.memory_space<hbm>>
    %dma_wait3A_156 = arith.constant 8192 : i32
    %dma_wait3A_157 = tpu.memref_slice %arg5[%dma_wait3A_156] : memref<16384xi32, #tpu.memory_space<vmem>> -> memref<8192xi32, #tpu.memory_space<vmem>>
    %dma_wait3A_158 = tpu.memref_slice %arg2[%add3A_137] : memref<1048576xi32, #tpu.memory_space<hbm>> -> memref<8192xi32, #tpu.memory_space<hbm>>
    tpu.wait_dma2 semaphore(%arg10 : memref<!tpu.dma_semaphore, #tpu.memory_space<semaphore_mem>>) src(%dma_wait3A_158 : memref<8192xi32, #tpu.memory_space<hbm>>) dst(%dma_wait3A_157 : memref<8192xi32, #tpu.memory_space<vmem>>)
    %parallel_loop3A_159 = arith.constant 0 : i32
    %parallel_loop3A_160 = arith.constant 512 : i32
    %parallel_loop3A_161 = arith.constant 4 : i32
    "tpu.trace_stop"() : () -> ()
    "tpu.trace_start"() <{level = 10 : i32, message = "sc_hist3"}> : () -> ()
    scf.for %parallel_loop3A_396 = %parallel_loop3A_159 to %parallel_loop3A_160 step %parallel_loop3A_161  : i32 {
      %parallel_loop3A_397 = arith.constant 0 : i32
      %parallel_loop3A_398 = arith.addi %parallel_loop3A_396, %parallel_loop3A_397 : i32
      %parallel_loop3A_399 = arith.constant 16 : i32
      %parallel_loop3A_400 = arith.muli %parallel_loop3A_398, %parallel_loop3A_399 : i32
      %parallel_loop3A_401 = arith.constant 8192 : i32
      %parallel_loop3A_402 = arith.addi %parallel_loop3A_401, %parallel_loop3A_400 : i32
      %parallel_loop3A_403 = arith.index_cast %parallel_loop3A_402 : i32 to index
      %parallel_loop3A_404 = tpu.vector_load %arg5[%parallel_loop3A_403] {strides = array<i32>} : memref<16384xi32, #tpu.memory_space<vmem>>, vector<16xi32>,
      %parallel_loop3A_405 = arith.constant 4 : i32
      %parallel_loop3A_406 = vector.broadcast %parallel_loop3A_405 : i32 to vector<16xi32>
      %parallel_loop3A_407 = arith.shli %parallel_loop3A_404, %parallel_loop3A_406 : vector<16xi32>
      %parallel_loop3A_408 = arith.addi %parallel_loop3A_407, %add3A_102 : vector<16xi32>
      tpu.vector_store_idx %arg7[%parallel_loop3A_408], %broadcast_in_dim3A_99 {add = true} : memref<1024xi32, #tpu.memory_space<vmem>>[vector<16xi32>], vector<16xi32>,
      %parallel_loop3A_409 = arith.constant 1 : i32
      %parallel_loop3A_410 = arith.addi %parallel_loop3A_396, %parallel_loop3A_409 : i32
      %parallel_loop3A_411 = arith.constant 16 : i32
      %parallel_loop3A_412 = arith.muli %parallel_loop3A_410, %parallel_loop3A_411 : i32
      %parallel_loop3A_413 = arith.constant 8192 : i32
      %parallel_loop3A_414 = arith.addi %parallel_loop3A_413, %parallel_loop3A_412 : i32
      %parallel_loop3A_415 = arith.index_cast %parallel_loop3A_414 : i32 to index
      %parallel_loop3A_416 = tpu.vector_load %arg5[%parallel_loop3A_415] {strides = array<i32>} : memref<16384xi32, #tpu.memory_space<vmem>>, vector<16xi32>,
      %parallel_loop3A_417 = arith.constant 4 : i32
      %parallel_loop3A_418 = vector.broadcast %parallel_loop3A_417 : i32 to vector<16xi32>
      %parallel_loop3A_419 = arith.shli %parallel_loop3A_416, %parallel_loop3A_418 : vector<16xi32>
      %parallel_loop3A_420 = arith.addi %parallel_loop3A_419, %add3A_105 : vector<16xi32>
      tpu.vector_store_idx %arg7[%parallel_loop3A_420], %broadcast_in_dim3A_99 {add = true} : memref<1024xi32, #tpu.memory_space<vmem>>[vector<16xi32>], vector<16xi32>,
      %parallel_loop3A_421 = arith.constant 2 : i32
      %parallel_loop3A_422 = arith.addi %parallel_loop3A_396, %parallel_loop3A_421 : i32
      %parallel_loop3A_423 = arith.constant 16 : i32
      %parallel_loop3A_424 = arith.muli %parallel_loop3A_422, %parallel_loop3A_423 : i32
      %parallel_loop3A_425 = arith.constant 8192 : i32
      %parallel_loop3A_426 = arith.addi %parallel_loop3A_425, %parallel_loop3A_424 : i32
      %parallel_loop3A_427 = arith.index_cast %parallel_loop3A_426 : i32 to index
      %parallel_loop3A_428 = tpu.vector_load %arg5[%parallel_loop3A_427] {strides = array<i32>} : memref<16384xi32, #tpu.memory_space<vmem>>, vector<16xi32>,
      %parallel_loop3A_429 = arith.constant 4 : i32
      %parallel_loop3A_430 = vector.broadcast %parallel_loop3A_429 : i32 to vector<16xi32>
      %parallel_loop3A_431 = arith.shli %parallel_loop3A_428, %parallel_loop3A_430 : vector<16xi32>
      %parallel_loop3A_432 = arith.addi %parallel_loop3A_431, %add3A_108 : vector<16xi32>
      tpu.vector_store_idx %arg7[%parallel_loop3A_432], %broadcast_in_dim3A_99 {add = true} : memref<1024xi32, #tpu.memory_space<vmem>>[vector<16xi32>], vector<16xi32>,
      %parallel_loop3A_433 = arith.constant 3 : i32
      %parallel_loop3A_434 = arith.addi %parallel_loop3A_396, %parallel_loop3A_433 : i32
      %parallel_loop3A_435 = arith.constant 16 : i32
      %parallel_loop3A_436 = arith.muli %parallel_loop3A_434, %parallel_loop3A_435 : i32
      %parallel_loop3A_437 = arith.constant 8192 : i32
      %parallel_loop3A_438 = arith.addi %parallel_loop3A_437, %parallel_loop3A_436 : i32
      %parallel_loop3A_439 = arith.index_cast %parallel_loop3A_438 : i32 to index
      %parallel_loop3A_440 = tpu.vector_load %arg5[%parallel_loop3A_439] {strides = array<i32>} : memref<16384xi32, #tpu.memory_space<vmem>>, vector<16xi32>,
      %parallel_loop3A_441 = arith.constant 4 : i32
      %parallel_loop3A_442 = vector.broadcast %parallel_loop3A_441 : i32 to vector<16xi32>
      %parallel_loop3A_443 = arith.shli %parallel_loop3A_440, %parallel_loop3A_442 : vector<16xi32>
      %parallel_loop3A_444 = arith.addi %parallel_loop3A_443, %add3A_111 : vector<16xi32>
      tpu.vector_store_idx %arg7[%parallel_loop3A_444], %broadcast_in_dim3A_99 {add = true} : memref<1024xi32, #tpu.memory_space<vmem>>[vector<16xi32>], vector<16xi32>,
    } {sc.loop_unroll_factor = 2 : i64, sc.parallel_access}
    "tpu.trace_stop"() : () -> ()
    "tpu.trace_start"() <{level = 10 : i32, message = "sc_epi"}> : () -> ()
    tpu.wait_dma2 semaphore(%arg11 : memref<!tpu.dma_semaphore, #tpu.memory_space<semaphore_mem>>) src(%arg3 : memref<10x16xf32, #tpu.memory_space<hbm>>) dst(%arg6 : memref<10x16xf32, #tpu.memory_space<vmem>>)
    %broadcast_in_dim3A_162 = arith.constant 0.000000e+00 : f32
    %broadcast_in_dim3A_163 = vector.broadcast %broadcast_in_dim3A_162 : f32 to vector<16xf32>
    %get3A = arith.constant 0 : index
    %get3A_164 = tpu.vector_load %arg7[%get3A] {strides = array<i32>} : memref<1024xi32, #tpu.memory_space<vmem>>, vector<16xi32>,
    %get3A_165 = arith.constant 256 : index
    %get3A_166 = tpu.vector_load %arg7[%get3A_165] {strides = array<i32>} : memref<1024xi32, #tpu.memory_space<vmem>>, vector<16xi32>,
    %add3A_167 = arith.addi %get3A_164, %get3A_166 : vector<16xi32>
    %get3A_168 = arith.constant 512 : index
    %get3A_169 = tpu.vector_load %arg7[%get3A_168] {strides = array<i32>} : memref<1024xi32, #tpu.memory_space<vmem>>, vector<16xi32>,
    %add3A_170 = arith.addi %add3A_167, %get3A_169 : vector<16xi32>
    %get3A_171 = arith.constant 768 : index
    %get3A_172 = tpu.vector_load %arg7[%get3A_171] {strides = array<i32>} : memref<1024xi32, #tpu.memory_space<vmem>>, vector<16xi32>,
    %add3A_173 = arith.addi %add3A_170, %get3A_172 : vector<16xi32>
    %reduce_sum3A = arith.constant true
    %reduce_sum3A_174 = vector.broadcast %reduce_sum3A : i1 to vector<16xi1>
    %reduce_sum3A_175 = tpu.scan <sum>, %add3A_173 masked %reduce_sum3A_174 : vector<16xi32>, vector<16xi1> -> vector<16xi32>
    %reduce_sum3A_176 = vector.extract %reduce_sum3A_175[15] : i32 from vector<16xi32>
    %convert_element_type3A = arith.sitofp %reduce_sum3A_176 : i32 to f32
    %get3A_177 = arith.constant 0 : i32
    %get3A_178 = arith.index_cast %get3A_177 : i32 to index
    %get3A_179 = arith.constant 0 : index
    %get3A_180 = tpu.vector_load %arg6[%get3A_178, %get3A_179] {strides = array<i32>} : memref<10x16xf32, #tpu.memory_space<vmem>>, vector<16xf32>,
    %mul3A_181 = vector.broadcast %convert_element_type3A : f32 to vector<16xf32>
    %mul3A_182 = arith.mulf %mul3A_181, %get3A_180 : vector<16xf32>
    %add3A_183 = arith.addf %broadcast_in_dim3A_163, %mul3A_182 : vector<16xf32>
    %get3A_184 = arith.constant 16 : index
    %get3A_185 = tpu.vector_load %arg7[%get3A_184] {strides = array<i32>} : memref<1024xi32, #tpu.memory_space<vmem>>, vector<16xi32>,
    %get3A_186 = arith.constant 272 : index
    %get3A_187 = tpu.vector_load %arg7[%get3A_186] {strides = array<i32>} : memref<1024xi32, #tpu.memory_space<vmem>>, vector<16xi32>,
    %add3A_188 = arith.addi %get3A_185, %get3A_187 : vector<16xi32>
    %get3A_189 = arith.constant 528 : index
    %get3A_190 = tpu.vector_load %arg7[%get3A_189] {strides = array<i32>} : memref<1024xi32, #tpu.memory_space<vmem>>, vector<16xi32>,
    %add3A_191 = arith.addi %add3A_188, %get3A_190 : vector<16xi32>
    %get3A_192 = arith.constant 784 : index
    %get3A_193 = tpu.vector_load %arg7[%get3A_192] {strides = array<i32>} : memref<1024xi32, #tpu.memory_space<vmem>>, vector<16xi32>,
    %add3A_194 = arith.addi %add3A_191, %get3A_193 : vector<16xi32>
    %reduce_sum3A_195 = arith.constant true
    %reduce_sum3A_196 = vector.broadcast %reduce_sum3A_195 : i1 to vector<16xi1>
    %reduce_sum3A_197 = tpu.scan <sum>, %add3A_194 masked %reduce_sum3A_196 : vector<16xi32>, vector<16xi1> -> vector<16xi32>
    %reduce_sum3A_198 = vector.extract %reduce_sum3A_197[15] : i32 from vector<16xi32>
    %convert_element_type3A_199 = arith.sitofp %reduce_sum3A_198 : i32 to f32
    %get3A_200 = arith.constant 1 : i32
    %get3A_201 = arith.index_cast %get3A_200 : i32 to index
    %get3A_202 = arith.constant 0 : index
    %get3A_203 = tpu.vector_load %arg6[%get3A_201, %get3A_202] {strides = array<i32>} : memref<10x16xf32, #tpu.memory_space<vmem>>, vector<16xf32>,
    %mul3A_204 = vector.broadcast %convert_element_type3A_199 : f32 to vector<16xf32>
    %mul3A_205 = arith.mulf %mul3A_204, %get3A_203 : vector<16xf32>
    %add3A_206 = arith.addf %add3A_183, %mul3A_205 : vector<16xf32>
    %get3A_207 = arith.constant 32 : index
    %get3A_208 = tpu.vector_load %arg7[%get3A_207] {strides = array<i32>} : memref<1024xi32, #tpu.memory_space<vmem>>, vector<16xi32>,
    %get3A_209 = arith.constant 288 : index
    %get3A_210 = tpu.vector_load %arg7[%get3A_209] {strides = array<i32>} : memref<1024xi32, #tpu.memory_space<vmem>>, vector<16xi32>,
    %add3A_211 = arith.addi %get3A_208, %get3A_210 : vector<16xi32>
    %get3A_212 = arith.constant 544 : index
    %get3A_213 = tpu.vector_load %arg7[%get3A_212] {strides = array<i32>} : memref<1024xi32, #tpu.memory_space<vmem>>, vector<16xi32>,
    %add3A_214 = arith.addi %add3A_211, %get3A_213 : vector<16xi32>
    %get3A_215 = arith.constant 800 : index
    %get3A_216 = tpu.vector_load %arg7[%get3A_215] {strides = array<i32>} : memref<1024xi32, #tpu.memory_space<vmem>>, vector<16xi32>,
    %add3A_217 = arith.addi %add3A_214, %get3A_216 : vector<16xi32>
    %reduce_sum3A_218 = arith.constant true
    %reduce_sum3A_219 = vector.broadcast %reduce_sum3A_218 : i1 to vector<16xi1>
    %reduce_sum3A_220 = tpu.scan <sum>, %add3A_217 masked %reduce_sum3A_219 : vector<16xi32>, vector<16xi1> -> vector<16xi32>
    %reduce_sum3A_221 = vector.extract %reduce_sum3A_220[15] : i32 from vector<16xi32>
    %convert_element_type3A_222 = arith.sitofp %reduce_sum3A_221 : i32 to f32
    %get3A_223 = arith.constant 2 : i32
    %get3A_224 = arith.index_cast %get3A_223 : i32 to index
    %get3A_225 = arith.constant 0 : index
    %get3A_226 = tpu.vector_load %arg6[%get3A_224, %get3A_225] {strides = array<i32>} : memref<10x16xf32, #tpu.memory_space<vmem>>, vector<16xf32>,
    %mul3A_227 = vector.broadcast %convert_element_type3A_222 : f32 to vector<16xf32>
    %mul3A_228 = arith.mulf %mul3A_227, %get3A_226 : vector<16xf32>
    %add3A_229 = arith.addf %add3A_206, %mul3A_228 : vector<16xf32>
    %get3A_230 = arith.constant 48 : index
    %get3A_231 = tpu.vector_load %arg7[%get3A_230] {strides = array<i32>} : memref<1024xi32, #tpu.memory_space<vmem>>, vector<16xi32>,
    %get3A_232 = arith.constant 304 : index
    %get3A_233 = tpu.vector_load %arg7[%get3A_232] {strides = array<i32>} : memref<1024xi32, #tpu.memory_space<vmem>>, vector<16xi32>,
    %add3A_234 = arith.addi %get3A_231, %get3A_233 : vector<16xi32>
    %get3A_235 = arith.constant 560 : index
    %get3A_236 = tpu.vector_load %arg7[%get3A_235] {strides = array<i32>} : memref<1024xi32, #tpu.memory_space<vmem>>, vector<16xi32>,
    %add3A_237 = arith.addi %add3A_234, %get3A_236 : vector<16xi32>
    %get3A_238 = arith.constant 816 : index
    %get3A_239 = tpu.vector_load %arg7[%get3A_238] {strides = array<i32>} : memref<1024xi32, #tpu.memory_space<vmem>>, vector<16xi32>,
    %add3A_240 = arith.addi %add3A_237, %get3A_239 : vector<16xi32>
    %reduce_sum3A_241 = arith.constant true
    %reduce_sum3A_242 = vector.broadcast %reduce_sum3A_241 : i1 to vector<16xi1>
    %reduce_sum3A_243 = tpu.scan <sum>, %add3A_240 masked %reduce_sum3A_242 : vector<16xi32>, vector<16xi1> -> vector<16xi32>
    %reduce_sum3A_244 = vector.extract %reduce_sum3A_243[15] : i32 from vector<16xi32>
    %convert_element_type3A_245 = arith.sitofp %reduce_sum3A_244 : i32 to f32
    %get3A_246 = arith.constant 3 : i32
    %get3A_247 = arith.index_cast %get3A_246 : i32 to index
    %get3A_248 = arith.constant 0 : index
    %get3A_249 = tpu.vector_load %arg6[%get3A_247, %get3A_248] {strides = array<i32>} : memref<10x16xf32, #tpu.memory_space<vmem>>, vector<16xf32>,
    %mul3A_250 = vector.broadcast %convert_element_type3A_245 : f32 to vector<16xf32>
    %mul3A_251 = arith.mulf %mul3A_250, %get3A_249 : vector<16xf32>
    %add3A_252 = arith.addf %add3A_229, %mul3A_251 : vector<16xf32>
    %get3A_253 = arith.constant 64 : index
    %get3A_254 = tpu.vector_load %arg7[%get3A_253] {strides = array<i32>} : memref<1024xi32, #tpu.memory_space<vmem>>, vector<16xi32>,
    %get3A_255 = arith.constant 320 : index
    %get3A_256 = tpu.vector_load %arg7[%get3A_255] {strides = array<i32>} : memref<1024xi32, #tpu.memory_space<vmem>>, vector<16xi32>,
    %add3A_257 = arith.addi %get3A_254, %get3A_256 : vector<16xi32>
    %get3A_258 = arith.constant 576 : index
    %get3A_259 = tpu.vector_load %arg7[%get3A_258] {strides = array<i32>} : memref<1024xi32, #tpu.memory_space<vmem>>, vector<16xi32>,
    %add3A_260 = arith.addi %add3A_257, %get3A_259 : vector<16xi32>
    %get3A_261 = arith.constant 832 : index
    %get3A_262 = tpu.vector_load %arg7[%get3A_261] {strides = array<i32>} : memref<1024xi32, #tpu.memory_space<vmem>>, vector<16xi32>,
    %add3A_263 = arith.addi %add3A_260, %get3A_262 : vector<16xi32>
    %reduce_sum3A_264 = arith.constant true
    %reduce_sum3A_265 = vector.broadcast %reduce_sum3A_264 : i1 to vector<16xi1>
    %reduce_sum3A_266 = tpu.scan <sum>, %add3A_263 masked %reduce_sum3A_265 : vector<16xi32>, vector<16xi1> -> vector<16xi32>
    %reduce_sum3A_267 = vector.extract %reduce_sum3A_266[15] : i32 from vector<16xi32>
    %convert_element_type3A_268 = arith.sitofp %reduce_sum3A_267 : i32 to f32
    %get3A_269 = arith.constant 4 : i32
    %get3A_270 = arith.index_cast %get3A_269 : i32 to index
    %get3A_271 = arith.constant 0 : index
    %get3A_272 = tpu.vector_load %arg6[%get3A_270, %get3A_271] {strides = array<i32>} : memref<10x16xf32, #tpu.memory_space<vmem>>, vector<16xf32>,
    %mul3A_273 = vector.broadcast %convert_element_type3A_268 : f32 to vector<16xf32>
    %mul3A_274 = arith.mulf %mul3A_273, %get3A_272 : vector<16xf32>
    %add3A_275 = arith.addf %add3A_252, %mul3A_274 : vector<16xf32>
    %get3A_276 = arith.constant 80 : index
    %get3A_277 = tpu.vector_load %arg7[%get3A_276] {strides = array<i32>} : memref<1024xi32, #tpu.memory_space<vmem>>, vector<16xi32>,
    %get3A_278 = arith.constant 336 : index
    %get3A_279 = tpu.vector_load %arg7[%get3A_278] {strides = array<i32>} : memref<1024xi32, #tpu.memory_space<vmem>>, vector<16xi32>,
    %add3A_280 = arith.addi %get3A_277, %get3A_279 : vector<16xi32>
    %get3A_281 = arith.constant 592 : index
    %get3A_282 = tpu.vector_load %arg7[%get3A_281] {strides = array<i32>} : memref<1024xi32, #tpu.memory_space<vmem>>, vector<16xi32>,
    %add3A_283 = arith.addi %add3A_280, %get3A_282 : vector<16xi32>
    %get3A_284 = arith.constant 848 : index
    %get3A_285 = tpu.vector_load %arg7[%get3A_284] {strides = array<i32>} : memref<1024xi32, #tpu.memory_space<vmem>>, vector<16xi32>,
    %add3A_286 = arith.addi %add3A_283, %get3A_285 : vector<16xi32>
    %reduce_sum3A_287 = arith.constant true
    %reduce_sum3A_288 = vector.broadcast %reduce_sum3A_287 : i1 to vector<16xi1>
    %reduce_sum3A_289 = tpu.scan <sum>, %add3A_286 masked %reduce_sum3A_288 : vector<16xi32>, vector<16xi1> -> vector<16xi32>
    %reduce_sum3A_290 = vector.extract %reduce_sum3A_289[15] : i32 from vector<16xi32>
    %convert_element_type3A_291 = arith.sitofp %reduce_sum3A_290 : i32 to f32
    %get3A_292 = arith.constant 5 : i32
    %get3A_293 = arith.index_cast %get3A_292 : i32 to index
    %get3A_294 = arith.constant 0 : index
    %get3A_295 = tpu.vector_load %arg6[%get3A_293, %get3A_294] {strides = array<i32>} : memref<10x16xf32, #tpu.memory_space<vmem>>, vector<16xf32>,
    %mul3A_296 = vector.broadcast %convert_element_type3A_291 : f32 to vector<16xf32>
    %mul3A_297 = arith.mulf %mul3A_296, %get3A_295 : vector<16xf32>
    %add3A_298 = arith.addf %add3A_275, %mul3A_297 : vector<16xf32>
    %get3A_299 = arith.constant 96 : index
    %get3A_300 = tpu.vector_load %arg7[%get3A_299] {strides = array<i32>} : memref<1024xi32, #tpu.memory_space<vmem>>, vector<16xi32>,
    %get3A_301 = arith.constant 352 : index
    %get3A_302 = tpu.vector_load %arg7[%get3A_301] {strides = array<i32>} : memref<1024xi32, #tpu.memory_space<vmem>>, vector<16xi32>,
    %add3A_303 = arith.addi %get3A_300, %get3A_302 : vector<16xi32>
    %get3A_304 = arith.constant 608 : index
    %get3A_305 = tpu.vector_load %arg7[%get3A_304] {strides = array<i32>} : memref<1024xi32, #tpu.memory_space<vmem>>, vector<16xi32>,
    %add3A_306 = arith.addi %add3A_303, %get3A_305 : vector<16xi32>
    %get3A_307 = arith.constant 864 : index
    %get3A_308 = tpu.vector_load %arg7[%get3A_307] {strides = array<i32>} : memref<1024xi32, #tpu.memory_space<vmem>>, vector<16xi32>,
    %add3A_309 = arith.addi %add3A_306, %get3A_308 : vector<16xi32>
    %reduce_sum3A_310 = arith.constant true
    %reduce_sum3A_311 = vector.broadcast %reduce_sum3A_310 : i1 to vector<16xi1>
    %reduce_sum3A_312 = tpu.scan <sum>, %add3A_309 masked %reduce_sum3A_311 : vector<16xi32>, vector<16xi1> -> vector<16xi32>
    %reduce_sum3A_313 = vector.extract %reduce_sum3A_312[15] : i32 from vector<16xi32>
    %convert_element_type3A_314 = arith.sitofp %reduce_sum3A_313 : i32 to f32
    %get3A_315 = arith.constant 6 : i32
    %get3A_316 = arith.index_cast %get3A_315 : i32 to index
    %get3A_317 = arith.constant 0 : index
    %get3A_318 = tpu.vector_load %arg6[%get3A_316, %get3A_317] {strides = array<i32>} : memref<10x16xf32, #tpu.memory_space<vmem>>, vector<16xf32>,
    %mul3A_319 = vector.broadcast %convert_element_type3A_314 : f32 to vector<16xf32>
    %mul3A_320 = arith.mulf %mul3A_319, %get3A_318 : vector<16xf32>
    %add3A_321 = arith.addf %add3A_298, %mul3A_320 : vector<16xf32>
    %get3A_322 = arith.constant 112 : index
    %get3A_323 = tpu.vector_load %arg7[%get3A_322] {strides = array<i32>} : memref<1024xi32, #tpu.memory_space<vmem>>, vector<16xi32>,
    %get3A_324 = arith.constant 368 : index
    %get3A_325 = tpu.vector_load %arg7[%get3A_324] {strides = array<i32>} : memref<1024xi32, #tpu.memory_space<vmem>>, vector<16xi32>,
    %add3A_326 = arith.addi %get3A_323, %get3A_325 : vector<16xi32>
    %get3A_327 = arith.constant 624 : index
    %get3A_328 = tpu.vector_load %arg7[%get3A_327] {strides = array<i32>} : memref<1024xi32, #tpu.memory_space<vmem>>, vector<16xi32>,
    %add3A_329 = arith.addi %add3A_326, %get3A_328 : vector<16xi32>
    %get3A_330 = arith.constant 880 : index
    %get3A_331 = tpu.vector_load %arg7[%get3A_330] {strides = array<i32>} : memref<1024xi32, #tpu.memory_space<vmem>>, vector<16xi32>,
    %add3A_332 = arith.addi %add3A_329, %get3A_331 : vector<16xi32>
    %reduce_sum3A_333 = arith.constant true
    %reduce_sum3A_334 = vector.broadcast %reduce_sum3A_333 : i1 to vector<16xi1>
    %reduce_sum3A_335 = tpu.scan <sum>, %add3A_332 masked %reduce_sum3A_334 : vector<16xi32>, vector<16xi1> -> vector<16xi32>
    %reduce_sum3A_336 = vector.extract %reduce_sum3A_335[15] : i32 from vector<16xi32>
    %convert_element_type3A_337 = arith.sitofp %reduce_sum3A_336 : i32 to f32
    %get3A_338 = arith.constant 7 : i32
    %get3A_339 = arith.index_cast %get3A_338 : i32 to index
    %get3A_340 = arith.constant 0 : index
    %get3A_341 = tpu.vector_load %arg6[%get3A_339, %get3A_340] {strides = array<i32>} : memref<10x16xf32, #tpu.memory_space<vmem>>, vector<16xf32>,
    %mul3A_342 = vector.broadcast %convert_element_type3A_337 : f32 to vector<16xf32>
    %mul3A_343 = arith.mulf %mul3A_342, %get3A_341 : vector<16xf32>
    %add3A_344 = arith.addf %add3A_321, %mul3A_343 : vector<16xf32>
    %get3A_345 = arith.constant 128 : index
    %get3A_346 = tpu.vector_load %arg7[%get3A_345] {strides = array<i32>} : memref<1024xi32, #tpu.memory_space<vmem>>, vector<16xi32>,
    %get3A_347 = arith.constant 384 : index
    %get3A_348 = tpu.vector_load %arg7[%get3A_347] {strides = array<i32>} : memref<1024xi32, #tpu.memory_space<vmem>>, vector<16xi32>,
    %add3A_349 = arith.addi %get3A_346, %get3A_348 : vector<16xi32>
    %get3A_350 = arith.constant 640 : index
    %get3A_351 = tpu.vector_load %arg7[%get3A_350] {strides = array<i32>} : memref<1024xi32, #tpu.memory_space<vmem>>, vector<16xi32>,
    %add3A_352 = arith.addi %add3A_349, %get3A_351 : vector<16xi32>
    %get3A_353 = arith.constant 896 : index
    %get3A_354 = tpu.vector_load %arg7[%get3A_353] {strides = array<i32>} : memref<1024xi32, #tpu.memory_space<vmem>>, vector<16xi32>,
    %add3A_355 = arith.addi %add3A_352, %get3A_354 : vector<16xi32>
    %reduce_sum3A_356 = arith.constant true
    %reduce_sum3A_357 = vector.broadcast %reduce_sum3A_356 : i1 to vector<16xi1>
    %reduce_sum3A_358 = tpu.scan <sum>, %add3A_355 masked %reduce_sum3A_357 : vector<16xi32>, vector<16xi1> -> vector<16xi32>
    %reduce_sum3A_359 = vector.extract %reduce_sum3A_358[15] : i32 from vector<16xi32>
    %convert_element_type3A_360 = arith.sitofp %reduce_sum3A_359 : i32 to f32
    %get3A_361 = arith.constant 8 : i32
    %get3A_362 = arith.index_cast %get3A_361 : i32 to index
    %get3A_363 = arith.constant 0 : index
    %get3A_364 = tpu.vector_load %arg6[%get3A_362, %get3A_363] {strides = array<i32>} : memref<10x16xf32, #tpu.memory_space<vmem>>, vector<16xf32>,
    %mul3A_365 = vector.broadcast %convert_element_type3A_360 : f32 to vector<16xf32>
    %mul3A_366 = arith.mulf %mul3A_365, %get3A_364 : vector<16xf32>
    %add3A_367 = arith.addf %add3A_344, %mul3A_366 : vector<16xf32>
    %get3A_368 = arith.constant 144 : index
    %get3A_369 = tpu.vector_load %arg7[%get3A_368] {strides = array<i32>} : memref<1024xi32, #tpu.memory_space<vmem>>, vector<16xi32>,
    %get3A_370 = arith.constant 400 : index
    %get3A_371 = tpu.vector_load %arg7[%get3A_370] {strides = array<i32>} : memref<1024xi32, #tpu.memory_space<vmem>>, vector<16xi32>,
    %add3A_372 = arith.addi %get3A_369, %get3A_371 : vector<16xi32>
    %get3A_373 = arith.constant 656 : index
    %get3A_374 = tpu.vector_load %arg7[%get3A_373] {strides = array<i32>} : memref<1024xi32, #tpu.memory_space<vmem>>, vector<16xi32>,
    %add3A_375 = arith.addi %add3A_372, %get3A_374 : vector<16xi32>
    %get3A_376 = arith.constant 912 : index
    %get3A_377 = tpu.vector_load %arg7[%get3A_376] {strides = array<i32>} : memref<1024xi32, #tpu.memory_space<vmem>>, vector<16xi32>,
    %add3A_378 = arith.addi %add3A_375, %get3A_377 : vector<16xi32>
    %reduce_sum3A_379 = arith.constant true
    %reduce_sum3A_380 = vector.broadcast %reduce_sum3A_379 : i1 to vector<16xi1>
    %reduce_sum3A_381 = tpu.scan <sum>, %add3A_378 masked %reduce_sum3A_380 : vector<16xi32>, vector<16xi1> -> vector<16xi32>
    %reduce_sum3A_382 = vector.extract %reduce_sum3A_381[15] : i32 from vector<16xi32>
    %convert_element_type3A_383 = arith.sitofp %reduce_sum3A_382 : i32 to f32
    %get3A_384 = arith.constant 9 : i32
    %get3A_385 = arith.index_cast %get3A_384 : i32 to index
    %get3A_386 = arith.constant 0 : index
    %get3A_387 = tpu.vector_load %arg6[%get3A_385, %get3A_386] {strides = array<i32>} : memref<10x16xf32, #tpu.memory_space<vmem>>, vector<16xf32>,
    %mul3A_388 = vector.broadcast %convert_element_type3A_383 : f32 to vector<16xf32>
    %mul3A_389 = arith.mulf %mul3A_388, %get3A_387 : vector<16xf32>
    %add3A_390 = arith.addf %add3A_367, %mul3A_389 : vector<16xf32>
    %mul3A_391 = arith.constant 9.53674316E-7 : f32
    %mul3A_392 = vector.broadcast %mul3A_391 : f32 to vector<16xf32>
    %mul3A_393 = arith.mulf %add3A_390, %mul3A_392 : vector<16xf32>
    %swap3A_394 = arith.constant 0 : index
    %swap3A_395 = tpu.vector_load %arg8[%swap3A_394] {strides = array<i32>} : memref<16xf32, #tpu.memory_space<vmem>>, vector<16xf32>,
    tpu.vector_store %arg8[%swap3A_394], %mul3A_393 {strides = array<i32>} : memref<16xf32, #tpu.memory_space<vmem>>, vector<16xf32>,
    "tpu.region"() ({
      %run_scoped3A = tpu.sem_alloc : memref<!tpu.dma_semaphore, #tpu.memory_space<semaphore_mem>>
      %dma_start3A_396 = arith.constant 0 : i32
      %dma_start3A_397 = tpu.memref_slice %arg4[%add3A, %dma_start3A_396] : memref<32x16xf32, #tpu.memory_space<hbm>> -> memref<1x16xf32, #tpu.memory_space<hbm>>
      %dma_start3A_398 = tpu.memref_squeeze %dma_start3A_397 : memref<1x16xf32, #tpu.memory_space<hbm>> -> memref<16xf32, #tpu.memory_space<hbm>>
      %dma_start3A_399 = arith.constant 0 : i32
      %dma_start3A_400 = tpu.memref_slice %arg4[%add3A, %dma_start3A_399] : memref<32x16xf32, #tpu.memory_space<hbm>> -> memref<1x16xf32, #tpu.memory_space<hbm>>
      %dma_start3A_401 = tpu.memref_squeeze %dma_start3A_400 : memref<1x16xf32, #tpu.memory_space<hbm>> -> memref<16xf32, #tpu.memory_space<hbm>>
      tpu.enqueue_dma source(%arg8 : memref<16xf32, #tpu.memory_space<vmem>>) target(%dma_start3A_401 : memref<16xf32, #tpu.memory_space<hbm>>) target_semaphore(%run_scoped3A : memref<!tpu.dma_semaphore, #tpu.memory_space<semaphore_mem>>)
      %dma_wait3A_402 = arith.constant 0 : i32
      %dma_wait3A_403 = tpu.memref_slice %arg4[%add3A, %dma_wait3A_402] : memref<32x16xf32, #tpu.memory_space<hbm>> -> memref<1x16xf32, #tpu.memory_space<hbm>>
      %dma_wait3A_404 = tpu.memref_squeeze %dma_wait3A_403 : memref<1x16xf32, #tpu.memory_space<hbm>> -> memref<16xf32, #tpu.memory_space<hbm>>
      %dma_wait3A_405 = arith.constant 0 : i32
      %dma_wait3A_406 = tpu.memref_slice %arg4[%add3A, %dma_wait3A_405] : memref<32x16xf32, #tpu.memory_space<hbm>> -> memref<1x16xf32, #tpu.memory_space<hbm>>
      %dma_wait3A_407 = tpu.memref_squeeze %dma_wait3A_406 : memref<1x16xf32, #tpu.memory_space<hbm>> -> memref<16xf32, #tpu.memory_space<hbm>>
      tpu.wait_dma2 semaphore(%run_scoped3A : memref<!tpu.dma_semaphore, #tpu.memory_space<semaphore_mem>>) src(%arg8 : memref<16xf32, #tpu.memory_space<vmem>>) dst(%dma_wait3A_407 : memref<16xf32, #tpu.memory_space<hbm>>)
      tpu.yield
    }) : () -> ()
    "tpu.trace_stop"() : () -> ()
    return
  }
}

</mosaic_0001>

<sc_bundles>
// kernel: kernel.3.cloned.1.call-start
scs
__scs_entry_jumppad:
0x0: {  	(pc) =	sbr.rel $0x88, $3  }
0x1: {  	(tag) =	ssettag $0x0;
	lr =	simm.s32 $0x1  }
0x2: {  	[smem:$0x3F9F] =	sst lr;
	_ =	strace $0xD0000000  }
0x3: {  	_ = 	snop  }
0x4: {  	_ = 	snop  }
0x5: {  	_ = 	snop  }
0x6: {  	_ = 	snop  }
0x7: {  	_ = 	snop  }
__scs_overlays_trampoline_lowered:
0x8: {  	[smem:$0x3FAE] =	sst s0  }
0x9: {  	[smem:$0x3FAF] =	sst s1  }
0xa: {  	[smem:$0x3FB0] =	sst s2  }
0xb: {  	[smem:$0x3FB1] =	sst s3  }
0xc: {  	[smem:$0x3FB2] =	sst s4  }
0xd: {  	[smem:$0x3FB3] =	sst s5  }
0xe: {  	[smem:$0x3FB4] =	sst s6  }
0xf: {  	[smem:$0x3FB5] =	sst s7  }
0x10: {  	[smem:$0x3FB6] =	sst s8  }
0x11: {  	[smem:$0x3FB7] =	sst s9;
	s0 =	simm.s32 @!p0 $0x0  }
0x12: {  	s1 =	sld [smem:$0x3F9D];
	s0 =	simm.s32 @p0 $0x1  }
0x13: {  	[smem:$0x3FB8] =	sst s0;
	s0 =	simm.s32 @!p1 $0x0  }
0x14: {  	s2 =	sld [smem:$0x3F9C];
	s0 =	simm.s32 @p1 $0x1  }
0x15: {  	[smem:$0x3FB9] =	sst s0;
	s0 =	simm.s32 @!p2 $0x0  }
0x16: {  	s3 =	sld [smem:$0x3FDB];
	s0 =	simm.s32 @p2 $0x1  }
0x17: {  	s4 =	simm.s32 $0x1BF5;
	[smem:$0x3FBB] =	sst s0  }
0x18: {  	s0 =	sld [smem:$0x3F9E];
	_ =	swait.ge [sflag:s4], $0x0  }
0x19: {  	s7 =	sld [smem:$0x3F9F]  }
0x1a: {  	s8 =	sadd.s32 $0xFFFFE003, lr  }
0x1b: {  	s9 =	sadd.s32 $0xFFFFFEF7, lr;
	s5 =	simm.s32 $0xFFFFFFFF;
	p2 =	slt.u32 s8, $0xFFFFF086  }
0x1c: {  	p1 =	slt.u32 s9, $0xF7A;
	s5 =	simm.s32 @!p2 $0x0  }
0x1d: {  	s5 =	simm.s32 @p1 $0x1;
	p0 =	seq.s32 s7, s2  }
0x1e: {  	s7 =	smul.u32 @!p0 $0xF7A, s2;
	p2 =	seq.s32 @!p0 s5, $0x0  }
0x1f: {  	s9 =	smul.u32 $0xF7A, s1;
	s8 =	simm.s32 @!p0 $0x1BF5;
	p2 =	por !p2, p0  }
0x20: {  	[sflag:s8] =	ssyncset.s32 @!p0 $0xFFFFF086;
	s6 =	sadd.s32 @!p0 s3, s7;
	s7 =	simm.s32 @!p0 $0x108  }
0x21: {  	s3 =	sadd.s32 s3, s9;
	s6 =	sadd.s32 @!p0 $0x88, s6;
	s7 =	simm.s32 @p2 $0x1082  }
0x22: {  	[simem:s7], [sflag:s8] =	dma.local @!p0 [hbm:s6], $0xF7A  }
0x23: {  	s9 =	sor.u32 $0xD0000000, s2;
	s6 =	simm.s32 $0x108;
	_ =	swait.ge @!p0 [sflag:s8], $0x0  }
0x24: {  	s3 =	sadd.s32 $0x88, s3;
	s6 =	simm.s32 @!p1 $0x1082;
	[sflag:s4] =	ssyncset.s32 $0xFFFFF086  }
0x25: {  	[simem:s6], [sflag:s4] =	dma.local [hbm:s3], $0xF7A  }
0x26: {  	[smem:$0x3F9F] =	sst s1;
	(tag) =	ssettag s2;
	_ =	strace s9  }
0x27: {  	s1 =	sld [smem:$0x3FAF]  }
0x28: {  	s2 =	sld [smem:$0x3FB0]  }
0x29: {  	s4 =	sld [smem:$0x3FB2]  }
0x2a: {  	p0 =	seq.s32 s5, $0x0;
	s5 =	sld [smem:$0x3FB3]  }
0x2b: {  	s6 =	sld [smem:$0x3FB4]  }
0x2c: {  	s7 =	sld [smem:$0x3FB5]  }
0x2d: {  	s3 =	simm.s32 $0x108;
	s8 =	sld [smem:$0x3FB6]  }
0x2e: {  	s3 =	simm.s32 @!p0 $0x1082;
	s9 =	sld [smem:$0x3FB7]  }
0x2f: {  	lr =	sadd.s32 s0, s3;
	s0 =	sld [smem:$0x3FAE]  }
0x30: {  	s3 =	sld [smem:$0x3FB1]  }
0x31: {  	[smem:$0x3FBA] =	sst s10  }
0x32: {  	s10 =	sld [smem:$0x3FB8];
	_ =	sdelay $0x3  }
0x33: {  	p0 =	seq.s32 s10, $0x1;
	s10 =	sld [smem:$0x3FBA];
	_ =	sdelay $0x3  }
0x34: {  	[smem:$0x3FBA] =	sst s10  }
0x35: {  	s10 =	sld [smem:$0x3FB9];
	_ =	sdelay $0x3  }
0x36: {  	p1 =	seq.s32 s10, $0x1;
	s10 =	sld [smem:$0x3FBA];
	_ =	sdelay $0x3  }
0x37: {  	[smem:$0x3FBA] =	sst s10  }
0x38: {  	s10 =	sld [smem:$0x3FBB]  }
0x39: {  	_ = 	snop;
	(pc) =	sbr.ind lr, $3  }
0x3a: {  	_ = 	snop  }
0x3b: {  	_ = 	snop  }
0x3c: {  	p2 =	seq.s32 s10, $0x1;
	s10 =	sld [smem:$0x3FBA]  }
0x3d: {  	_ =	shalt  }
0x3e: {  	_ =	shalt  }
0x3f: {  	_ =	shalt  }
0x40: {  	_ =	shalt  }
0x41: {  	_ =	shalt  }
0x42: {  	_ =	shalt  }
0x43: {  	_ =	shalt  }
0x44: {  	_ =	shalt  }
0x45: {  	_ =	shalt  }
0x46: {  	_ =	shalt  }
0x47: {  	_ =	shalt  }
0x48: {  	_ =	shalt  }
0x49: {  	_ =	shalt  }
0x4a: {  	_ =	shalt  }
0x4b: {  	_ =	shalt  }
0x4c: {  	_ =	shalt  }
0x4d: {  	_ =	shalt  }
0x4e: {  	_ =	shalt  }
0x4f: {  	_ =	shalt  }
0x50: {  	_ =	shalt  }
0x51: {  	_ =	shalt  }
0x52: {  	_ =	shalt  }
0x53: {  	_ =	shalt  }
0x54: {  	_ =	shalt  }
0x55: {  	_ =	shalt  }
0x56: {  	_ =	shalt  }
0x57: {  	_ =	shalt  }
0x58: {  	_ =	shalt  }
0x59: {  	_ =	shalt  }
0x5a: {  	_ =	shalt  }
0x5b: {  	_ =	shalt  }
0x5c: {  	_ =	shalt  }
0x5d: {  	_ =	shalt  }
0x5e: {  	_ =	shalt  }
0x5f: {  	_ =	shalt  }
0x60: {  	_ =	shalt  }
0x61: {  	_ =	shalt  }
0x62: {  	_ =	shalt  }
0x63: {  	_ =	shalt  }
0x64: {  	_ =	shalt  }
0x65: {  	_ =	shalt  }
0x66: {  	_ =	shalt  }
0x67: {  	_ =	shalt  }
0x68: {  	_ =	shalt  }
0x69: {  	_ =	shalt  }
0x6a: {  	_ =	shalt  }
0x6b: {  	_ =	shalt  }
0x6c: {  	_ =	shalt  }
0x6d: {  	_ =	shalt  }
0x6e: {  	_ =	shalt  }
0x6f: {  	_ =	shalt  }
0x70: {  	_ =	shalt  }
0x71: {  	_ =	shalt  }
0x72: {  	_ =	shalt  }
0x73: {  	_ =	shalt  }
0x74: {  	_ =	shalt  }
0x75: {  	_ =	shalt  }
0x76: {  	_ =	shalt  }
0x77: {  	_ =	shalt  }
0x78: {  	_ =	shalt  }
0x79: {  	_ =	shalt  }
0x7a: {  	_ =	shalt  }
0x7b: {  	_ =	shalt  }
0x7c: {  	_ =	shalt  }
0x7d: {  	_ =	shalt  }
0x7e: {  	_ =	shalt  }
0x7f: {  	_ =	shalt  }
0x80: {  	_ =	shalt  }
0x81: {  	_ =	shalt  }
0x82: {  	_ =	shalt  }
0x83: {  	_ =	shalt  }
0x84: {  	_ =	shalt  }
0x85: {  	_ =	shalt  }
0x86: {  	_ =	shalt  }
0x87: {  	_ =	shalt  }
.Lfunc_end0:
.L_simem_size_0:
called_computation_lowered:
.L_overlay_start_0:
0x88: {  	s2 =	sld [smem:$0x3FD9]  }
0x89: {  	s3 =	sld [smem:$0x3FFE];
	_ =	sdelay $0x1  }
0x8a: {  	s1 =	srdreg.scid  }
0x8b: {  	s0 =	sand.u32 $0x1, s1  }
0x8c: {  	s17 =	sshll.u32 s0, $0xA;
	s2 =	sadd.s32 s3, s2  }
0x8d: {  	s2 =	sadd.s32 s2, s17  }
0x8e: {  	[smem:$0x3FC6] =	sst s2  }
0x8f: {  	_ = 	snop  }
0x90: {  	s2 =	sld [smem:$0x3FC9]  }
0x91: {  	s18 =	sld [smem:$0x3FC8];
	(tm) =	ssettm $0x1  }
0x92: {  	s4 =	sld [smem:$0x3FFB];
	_ =	sdelay $0x3  }
0x93: {  	_ =	strace s4  }
0x94: {  	s4 =	sld [smem:$0x3FFC];
	_ =	sdelay $0x3  }
0x95: {  	_ =	strace s4  }
0x96: {  	s4 =	sld [smem:$0x3FFD];
	_ =	sdelay $0x3  }
0x97: {  	_ =	strace s4  }
0x98: {  	_ =	strace $0x8FFFFFFF  }
0x99: {  	s19 =	sld [smem:$0x3FDB];
	_ =	sdelay $0x1  }
0x9a: {  	s5 =	simm.s32 $_scs_section_size  }
0x9b: {  	s6 =	simm.s32 $_size__tile_overlayer_lowered;
	s7 =	simm.s32 $_tile_overlayer_lowered  }
0x9c: {  	s22 =	simm.s32 $0x1BFF;
	s21 =	sshll.u32 s7, $0x1;
	s4 =	sadd.s32 s5, s19  }
0x9d: {  	s8 =	simm.s32 $0x0;
	s20 =	sshll.u32 s6, $0x1;
	s6 =	sadd.s32 s21, s4  }
0x9e: {  	[timem:s8], [sflag:s22] =	dma.local [hbm:s6], s20  }
0x9f: {  	_ =	swait.ge [sflag:s22], s20  }
0xa0: {  	s5 =	ssub.s32 $0x0, s20;
	[sflag:s22] =	ssyncset.done $0x0  }
0xa1: {  	[sflag:s22] =	ssyncadd.s32 s5;
	_ =	sdelay $0x1  }
0xa2: {  	s23 =	simm.s32 $0x1B8B  }
0xa3: {  	_ =	swait.ge [sflag:s23], $0x1  }
0xa4: {  	[sflag:s23] =	ssyncset.done $0x0  }
0xa5: {  	s25 =	simm.s32 $0x1B8E;
	s24 =	sld [smem:$0x3FFE];
	[sflag:s23] =	ssyncadd.s32 $0xFFFFFFFF  }
0xa6: {  	s26 =	simm.s32 $execute0_lowered;
	[smem:$0x3FD2] =	sst s25  }
0xa7: {  	s6 =	sshll.u32 s26, $0x1;
	_ =	strace $0x80000046;
	[dreg:$0x1] =	wrdreg $0xFFFFFFFF  }
0xa8: {  	s28 =	simm.s32 $_size_execute0_lowered;
	s4 =	sadd.s32 s4, s6;
	[dreg:$0x0] =	wrdreg $0x0  }
0xa9: {  	s6 =	sshll.u32 s28, $0x1;
	[dreg:$0x2] =	wrdreg s4  }
0xaa: {  	[dreg:$0x3] =	wrdreg s6  }
0xab: {  	[dreg:$0x4] =	wrdreg $0xC0  }
0xac: {  	_ =	task [dreg:s8], $0x5FFFF  }
0xad: {  	[dreg:$0x1] =	wrdreg $0xFFFFFFFF  }
0xae: {  	[dreg:$0x0] =	wrdreg $0x60  }
0xaf: {  	[dreg:$0x2] =	wrdreg s2  }
0xb0: {  	[dreg:$0x3] =	wrdreg s18  }
0xb1: {  	[dreg:$0x4] =	wrdreg s24  }
0xb2: {  	[dreg:$0x5] =	wrdreg $0x9  }
0xb3: {  	_ =	task.clear_ibuf [dreg:s8], $0x6FFFF;
	_ =	strace $0x90000046  }
0xb4: {  	s29 =	simm.s32 $0x9;
	_ =	strace $0x80000052  }
0xb5: {  	_ =	swait.ge [sflag:s29], $0x1  }
0xb6: {  	[sflag:s29] =	ssyncadd.s32 $0xFFFFFFFF  }
0xb7: {  	_ =	strace $0x90000052  }
0xb8: {  	_ =	sfence  }
0xb9: {  	s30 =	sld [smem:$0x0];
	_ =	sdelay $0x2  }
0xba: {  	s31 =	sshll.u32 s1, $0xD;
	s1 =	sshrl.u32 s1, $0x2  }
0xbb: {  	s3 =	sand.u32 $0x4000, s31;
	s1 =	sadd.s32 s1, s30  }
0xbc: {  	s0 =	sor.u32 s3, s0;
	s1 =	sshll.u32 s1, $0x11  }
0xbd: {  	s0 =	sor.u32 s1, s0  }
0xbe: {  	s0 =	sadd.s32 $0x8F2B, s0  }
0xbf: {  	[sflag:s0] =	ssyncadd.remote.s32 $0x1  }
0xc0: {  	_ =	sfence.sel $0xFFFF  }
0xc1: {  	[dreg:$0x0] =	wrdreg $0xFFFFFFFF;
	(pc) =	sbr.abs _section_cstart, $3  }
0xc2: {  	[dreg:$0x1] =	wrdreg $0xFFFFFFFF  }
0xc3: {  	_ =	task.clear_ibuf [dreg:s8], $0x2FFFF;
	_ =	strace $0x9FFFFFFF  }
0xc4: {  	(tm) =	ssettm $0x7FFFFFFF  }
0xc5: {  	_ =	shalt  }
tec
execute0_lowered:
.L_overlay_start_1:
0x0: {  	(tag) =	ssettag $0x1  }
0x1: {  	s4 =	rddreg [dreg:$0x0]  }
0x2: {  	s2 =	rddreg [dreg:$0x1]  }
0x3: {  	s8 =	rddreg [dreg:$0x2]  }
0x4: {  	s3 =	srdreg.scid;
	s1 =	stileid.u32  }
0x5: {  	s0 =	rddreg [dreg:$0x3];
	s11 =	simm.s32 $0x4000;
	s12 =	simm.s32 $0x1  }
0x6: {  	s13 =	simm.s32 $0x4800;
	s14 =	simm.s32 $0x2;
	s15 =	simm.s32 $0x3  }
0x7: {  	s16 =	simm.s32 $0x4C00;
	s17 =	simm.s32 $0x4;
	s18 =	simm.s32 $0x0  }
0x8: {  	s5 =	sand.u32 $0x1, s3;
	s6 =	sshll.u32 s1, $0x1;
	s3 =	simm.s32 $0x0  }
0x9: {  	s7 =	ssub.s32 $0x2, s5;
	s9 =	sor.u32 s5, s6;
	[smem:$0x7FF] =	sst s3  }
0xa: {  	s31 =	sshrl.u32 s7, $0x1;
	s6 =	sshll.u32 s9, $0xC;
	_ =	strace $0x80000047  }
0xb: {  	s9 =	sshll.u32 s9, $0x4;
	s10 =	ssub.s32 s7, s31;
	s4 =	sadd.s32 s4, s6  }
0xc: {  	v0 =	vimm.s32 $0x0;
	v1 =	vlaneseq.u32;
	v2 =	vimm.s32 $0x1;
	s8 =	sadd.s32 s8, s9;
	s5 =	sadd.s32 $0x400, s4;
	s6 =	sadd.s32 $0x800, s4  }
0xd: {  	v3 =	vor.u32 $0x100, v1;
	v4 =	vor.u32 $0x200, v1;
	v5 =	vor.u32 $0x300, v1;
	s7 =	sadd.s32 $0xC00, s4;
	s9 =	smax.u32 s10, $0x1;
	s10 =	simm.s32 $0x2000  }
.LBB2_1:
0xe: {  	_ =	strace $0x80000048  }
0xf: {  	[tilespmem:s3], [sflag:$0x1] =	stream.linear.gather [hbm4b:s4+s3], $0x2000, $0x200038;
	[tilespmem:$0x4C80] =	vst v63  }
0x10: {  	_ = 	snop  }
0x11: {  	[tilespmem:s10], [sflag:$0x2] =	stream.linear.gather [hbm4b:s5+s3], $0x2000, $0x200038;
	[tilespmem:$0x4C80] =	vst v63  }
0x12: {  	_ = 	snop  }
0x13: {  	[tilespmem:s11], [sflag:$0x3] =	stream.linear.gather [hbm4b:s2+s3], $0x500, $0x200038;
	[tilespmem:$0x4C80] =	vst v63  }
0x14: {  	[tilespmem:$0x4800] =	vst v0  }
0x15: {  	[tilespmem:$0x4810] =	vst v0  }
0x16: {  	[tilespmem:$0x4820] =	vst v0  }
0x17: {  	[tilespmem:$0x4830] =	vst v0  }
0x18: {  	[tilespmem:$0x4840] =	vst v0  }
0x19: {  	[tilespmem:$0x4850] =	vst v0  }
0x1a: {  	[tilespmem:$0x4860] =	vst v0  }
0x1b: {  	[tilespmem:$0x4870] =	vst v0  }
0x1c: {  	[tilespmem:$0x4880] =	vst v0  }
0x1d: {  	[tilespmem:$0x4890] =	vst v0  }
0x1e: {  	[tilespmem:$0x4900] =	vst v0  }
0x1f: {  	[tilespmem:$0x4910] =	vst v0  }
0x20: {  	[tilespmem:$0x4920] =	vst v0  }
0x21: {  	[tilespmem:$0x4930] =	vst v0  }
0x22: {  	[tilespmem:$0x4940] =	vst v0  }
0x23: {  	[tilespmem:$0x4950] =	vst v0  }
0x24: {  	[tilespmem:$0x4960] =	vst v0  }
0x25: {  	[tilespmem:$0x4970] =	vst v0  }
0x26: {  	[tilespmem:$0x4980] =	vst v0  }
0x27: {  	[tilespmem:$0x4990] =	vst v0  }
0x28: {  	[tilespmem:$0x4A00] =	vst v0  }
0x29: {  	[tilespmem:$0x4A10] =	vst v0  }
0x2a: {  	[tilespmem:$0x4A20] =	vst v0  }
0x2b: {  	[tilespmem:$0x4A30] =	vst v0  }
0x2c: {  	[tilespmem:$0x4A40] =	vst v0  }
0x2d: {  	[tilespmem:$0x4A50] =	vst v0  }
0x2e: {  	[tilespmem:$0x4A60] =	vst v0  }
0x2f: {  	[tilespmem:$0x4A70] =	vst v0  }
0x30: {  	[tilespmem:$0x4A80] =	vst v0  }
0x31: {  	[tilespmem:$0x4A90] =	vst v0  }
0x32: {  	[tilespmem:$0x4B00] =	vst v0  }
0x33: {  	[tilespmem:$0x4B10] =	vst v0  }
0x34: {  	[tilespmem:$0x4B20] =	vst v0  }
0x35: {  	[tilespmem:$0x4B30] =	vst v0  }
0x36: {  	[tilespmem:$0x4B40] =	vst v0  }
0x37: {  	[tilespmem:$0x4B50] =	vst v0  }
0x38: {  	[tilespmem:$0x4B60] =	vst v0  }
0x39: {  	[tilespmem:$0x4B70] =	vst v0  }
0x3a: {  	[tilespmem:$0x4B80] =	vst v0  }
0x3b: {  	[tilespmem:$0x4B90] =	vst v0  }
0x3c: {  	_ =	strace $0x90000048  }
0x3d: {  	_ =	strace $0x80000049  }
0x3e: {  	_ =	swait.ge [sflag:s12], $0x2000  }
0x3f: {  	[sflag:s12] =	ssyncset.done $0x0  }
0x40: {  	[sflag:s12] =	ssyncadd.s32 $0xFFFFE000  }
0x41: {  	_ =	strace $0x90000049  }
0x42: {  	s21 =	simm.s32 $0x40;
	_ =	strace $0x8000004A  }
0x43: {  	v6 =	vld [tilespmem:s21+$0x0];
	_ =	sdelay $0x2  }
0x44: {  	v7 =	vld [tilespmem:s21+$0xFFFFFFC0];
	_ =	sdelay $0x1  }
0x45: {  	v6 =	vshll.u32 v6, $0x4  }
0x46: {  	v6 =	vor.u32 v1, v6;
	_ =	sdelay $0x1  }
0x47: {  	v7 =	vshll.u32 v7, $0x4  }
0x48: {  	s19 =	simm.s32 $0xC0;
	v7 =	vor.u32 v1, v7  }
0x49: {  	v8 =	vld [tilespmem:s19+$0x0]  }
0x4a: {  	[tilespmem:v6+s13+$0x0] =	vst.idx.add.s32.msk $0xffff, v2  }
0x4b: {  	v6 =	vld [tilespmem:s21+$0x10];
	_ =	sdelay $0x1  }
0x4c: {  	[tilespmem:v7+s13+$0x0] =	vst.idx.add.s32.msk $0xffff, v2  }
0x4d: {  	v7 =	vld [tilespmem:s21+$0xFFFFFFD0]  }
0x4e: {  	v8 =	vshll.u32 v8, $0x4  }
0x4f: {  	v8 =	vor.u32 v1, v8;
	v6 =	vshll.u32 v6, $0x4  }
0x50: {  	v9 =	vld [tilespmem:s19+$0xFFFFFFC0];
	v6 =	vadd.s32 v3, v6;
	_ =	sdelay $0x1  }
0x51: {  	v7 =	vshll.u32 v7, $0x4  }
0x52: {  	v7 =	vadd.s32 v3, v7  }
0x53: {  	[tilespmem:v8+s13+$0x0] =	vst.idx.add.s32.msk $0xffff, v2  }
0x54: {  	v9 =	vshll.u32 v9, $0x4;
	[tilespmem:v6+s13+$0x0] =	vst.idx.add.s32.msk $0xffff, v2  }
0x55: {  	v6 =	vor.u32 v1, v9;
	v9 =	vld [tilespmem:s21+$0x20]  }
0x56: {  	v8 =	vld [tilespmem:s19+$0x10]  }
0x57: {  	[tilespmem:v7+s13+$0x0] =	vst.idx.add.s32.msk $0xffff, v2  }
0x58: {  	v7 =	vld [tilespmem:s21+$0xFFFFFFE0];
	_ =	sdelay $0x1  }
0x59: {  	[tilespmem:v6+s13+$0x0] =	vst.idx.add.s32.msk $0xffff, v2;
	v6 =	vshll.u32 v9, $0x4  }
0x5a: {  	v9 =	vld [tilespmem:s19+$0xFFFFFFD0];
	v6 =	vadd.s32 v4, v6  }
0x5b: {  	s20 =	simm.s32 $0x140;
	v8 =	vshll.u32 v8, $0x4  }
0x5c: {  	v10 =	vld [tilespmem:s20+$0x0];
	v8 =	vadd.s32 v3, v8;
	v7 =	vshll.u32 v7, $0x4  }
0x5d: {  	v7 =	vadd.s32 v4, v7  }
0x5e: {  	v11 =	vld [tilespmem:s20+$0xFFFFFFC0]  }
0x5f: {  	v9 =	vshll.u32 v9, $0x4;
	[tilespmem:v6+s13+$0x0] =	vst.idx.add.s32.msk $0xffff, v2  }
0x60: {  	v6 =	vadd.s32 v3, v9;
	v9 =	vld [tilespmem:s21+$0x30]  }
0x61: {  	v10 =	vshll.u32 v10, $0x4;
	[tilespmem:v8+s13+$0x0] =	vst.idx.add.s32.msk $0xffff, v2  }
0x62: {  	[tilespmem:v7+s13+$0x0] =	vst.idx.add.s32.msk $0xffff, v2;
	v7 =	vor.u32 v1, v10  }
0x63: {  	v11 =	vshll.u32 v11, $0x4;
	v10 =	vld [tilespmem:s21+$0xFFFFFFF0]  }
0x64: {  	v11 =	vor.u32 v1, v11;
	v12 =	vld [tilespmem:s19+$0x20]  }
0x65: {  	[tilespmem:v6+s13+$0x0] =	vst.idx.add.s32.msk $0xffff, v2;
	v6 =	vshll.u32 v9, $0x4  }
0x66: {  	v13 =	vld [tilespmem:s19+$0xFFFFFFE0];
	v14 =	vadd.s32 v5, v6  }
0x67: {  	[tilespmem:v7+s13+$0x0] =	vst.idx.add.s32.msk $0xffff, v2  }
0x68: {  	v8 =	vld [tilespmem:s20+$0x10];
	v6 =	vshll.u32 v10, $0x4  }
0x69: {  	[tilespmem:v11+s13+$0x0] =	vst.idx.add.s32.msk $0xffff, v2;
	v7 =	vshll.u32 v12, $0x4;
	v6 =	vadd.s32 v5, v6  }
0x6a: {  	v9 =	vld [tilespmem:s20+$0xFFFFFFD0];
	v7 =	vadd.s32 v4, v7  }
0x6b: {  	s22 =	simm.s32 $0x1C0;
	s21 =	simm.s32 $0x10;
	v10 =	vshll.u32 v13, $0x4;
	[tilespmem:v14+s13+$0x0] =	vst.idx.add.s32.msk $0xffff, v2  }
.LBB2_2:
0x6c: {  	v11 =	vld [tilespmem:s22+$0x0];
	s21 =	sadd.s32 $0x8, s21;
	v10 =	vadd.s32 v4, v10  }
0x6d: {  	v12 =	vld [tilespmem:s22+$0xFFFFFFC0];
	p0 =	slt.u32 s21, $0x1F8;
	v8 =	vshll.u32 v8, $0x4  }
0x6e: {  	v8 =	vadd.s32 v3, v8;
	[tilespmem:v6+s13+$0x0] =	vst.idx.add.s32.msk $0xffff, v2  }
0x6f: {  	v6 =	vshll.u32 v9, $0x4;
	[tilespmem:v7+s13+$0x0] =	vst.idx.add.s32.msk $0xffff, v2  }
0x70: {  	v6 =	vadd.s32 v3, v6;
	v7 =	vld [tilespmem:s19+$0x30]  }
0x71: {  	v9 =	vshll.u32 v11, $0x4;
	[tilespmem:v10+s13+$0x0] =	vst.idx.add.s32.msk $0xffff, v2  }
0x72: {  	v10 =	vshll.u32 v12, $0x4;
	v9 =	vor.u32 v1, v9;
	v11 =	vld [tilespmem:s19+$0xFFFFFFF0];
	s19 =	smov.u32 s20;
	s20 =	smov.u32 s22  }
0x73: {  	v10 =	vor.u32 v1, v10;
	[tilespmem:v8+s13+$0x0] =	vst.idx.add.s32.msk $0xffff, v2  }
0x74: {  	v12 =	vld [tilespmem:s19+$0x20]  }
0x75: {  	[tilespmem:v6+s13+$0x0] =	vst.idx.add.s32.msk $0xffff, v2;
	v6 =	vshll.u32 v7, $0x4  }
0x76: {  	v13 =	vld [tilespmem:s19+$0xFFFFFFE0];
	v14 =	vadd.s32 v5, v6  }
.Ltmp0:
0x77: {  	[tilespmem:v9+s13+$0x0] =	vst.idx.add.s32.msk $0xffff, v2;
	v6 =	vshll.u32 v11, $0x4;
	(pc) =	sbr.rel @p0 .LBB2_2-.Ltmp0, $4  }
0x78: {  	v8 =	vld [tilespmem:s22+$0x10];
	v6 =	vadd.s32 v5, v6  }
0x79: {  	[tilespmem:v10+s13+$0x0] =	vst.idx.add.s32.msk $0xffff, v2;
	v7 =	vshll.u32 v12, $0x4  }
0x7a: {  	v9 =	vld [tilespmem:s22+$0xFFFFFFD0];
	v7 =	vadd.s32 v4, v7  }
0x7b: {  	s22 =	sadd.s32 $0x80, s22;
	v10 =	vshll.u32 v13, $0x4;
	[tilespmem:v14+s13+$0x0] =	vst.idx.add.s32.msk $0xffff, v2  }
0x7c: {  	_ = 	snop  }
0x7d: {  	v8 =	vshll.u32 v8, $0x4  }
0x7e: {  	v8 =	vadd.s32 v3, v8  }
0x7f: {  	v9 =	vshll.u32 v9, $0x4  }
0x80: {  	v9 =	vadd.s32 v3, v9;
	_ =	sdelay $0x2  }
0x81: {  	[tilespmem:v8+s13+$0x0] =	vst.idx.add.s32.msk $0xffff, v2  }
0x82: {  	v8 =	vld [tilespmem:s20+$0x20]  }
0x83: {  	[tilespmem:v9+s13+$0x0] =	vst.idx.add.s32.msk $0xffff, v2  }
0x84: {  	v9 =	vld [tilespmem:s20+$0xFFFFFFE0]  }
0x85: {  	v10 =	vadd.s32 v4, v10;
	_ =	sdelay $0x1  }
0x86: {  	v8 =	vshll.u32 v8, $0x4  }
0x87: {  	v8 =	vadd.s32 v4, v8  }
0x88: {  	[tilespmem:v7+s13+$0x0] =	vst.idx.add.s32.msk $0xffff, v2;
	v7 =	vshll.u32 v9, $0x4  }
0x89: {  	[tilespmem:v10+s13+$0x0] =	vst.idx.add.s32.msk $0xffff, v2;
	v7 =	vadd.s32 v4, v7  }
0x8a: {  	v10 =	vld [tilespmem:s19+$0xFFFFFFF0]  }
0x8b: {  	v9 =	vld [tilespmem:s19+$0x30]  }
0x8c: {  	[tilespmem:v8+s13+$0x0] =	vst.idx.add.s32.msk $0xffff, v2  }
0x8d: {  	v8 =	vld [tilespmem:s20+$0x30]  }
0x8e: {  	[tilespmem:v7+s13+$0x0] =	vst.idx.add.s32.msk $0xffff, v2  }
0x8f: {  	v7 =	vld [tilespmem:s20+$0xFFFFFFF0];
	_ =	sdelay $0x1  }
0x90: {  	v10 =	vshll.u32 v10, $0x4  }
0x91: {  	v10 =	vadd.s32 v5, v10;
	v9 =	vshll.u32 v9, $0x4  }
0x92: {  	v9 =	vadd.s32 v5, v9;
	v8 =	vshll.u32 v8, $0x4  }
0x93: {  	v8 =	vadd.s32 v5, v8;
	v7 =	vshll.u32 v7, $0x4  }
0x94: {  	v7 =	vadd.s32 v5, v7  }
0x95: {  	[tilespmem:v6+s13+$0x0] =	vst.idx.add.s32.msk $0xffff, v2  }
0x96: {  	[tilespmem:v10+s13+$0x0] =	vst.idx.add.s32.msk $0xffff, v2  }
0x97: {  	[tilespmem:v9+s13+$0x0] =	vst.idx.add.s32.msk $0xffff, v2  }
0x98: {  	[tilespmem:v8+s13+$0x0] =	vst.idx.add.s32.msk $0xffff, v2  }
0x99: {  	[tilespmem:v7+s13+$0x0] =	vst.idx.add.s32.msk $0xffff, v2  }
0x9a: {  	_ =	strace $0x9000004A  }
0x9b: {  	[tilespmem:s3], [sflag:$0x1] =	stream.linear.gather [hbm4b:s6+s3], $0x2000, $0x38;
	[tilespmem:$0x4C80] =	vst v63  }
0x9c: {  	_ =	strace $0x8000004B  }
0x9d: {  	_ =	swait.ge [sflag:s14], $0x2000  }
0x9e: {  	[sflag:s14] =	ssyncset.done $0x0  }
0x9f: {  	[sflag:s14] =	ssyncadd.s32 $0xFFFFE000  }
0xa0: {  	_ =	strace $0x9000004B  }
0xa1: {  	s21 =	simm.s32 $0x2070;
	_ =	strace $0x8000004C  }
0xa2: {  	v6 =	vld [tilespmem:s21+$0xFFFFFFD0];
	_ =	sdelay $0x2  }
0xa3: {  	v7 =	vld [tilespmem:s21+$0xFFFFFF90];
	_ =	sdelay $0x1  }
0xa4: {  	v6 =	vshll.u32 v6, $0x4  }
0xa5: {  	v6 =	vor.u32 v1, v6;
	_ =	sdelay $0x1  }
0xa6: {  	v7 =	vshll.u32 v7, $0x4  }
0xa7: {  	s19 =	simm.s32 $0x20F0;
	v7 =	vor.u32 v1, v7  }
0xa8: {  	v8 =	vld [tilespmem:s19+$0xFFFFFFD0]  }
0xa9: {  	[tilespmem:v6+s13+$0x0] =	vst.idx.add.s32.msk $0xffff, v2  }
0xaa: {  	v6 =	vld [tilespmem:s21+$0xFFFFFFE0];
	_ =	sdelay $0x1  }
0xab: {  	[tilespmem:v7+s13+$0x0] =	vst.idx.add.s32.msk $0xffff, v2  }
0xac: {  	v7 =	vld [tilespmem:s21+$0xFFFFFFA0]  }
0xad: {  	v8 =	vshll.u32 v8, $0x4  }
0xae: {  	v8 =	vor.u32 v1, v8;
	v6 =	vshll.u32 v6, $0x4  }
0xaf: {  	v9 =	vld [tilespmem:s19+$0xFFFFFF90];
	v6 =	vadd.s32 v3, v6;
	_ =	sdelay $0x1  }
0xb0: {  	v7 =	vshll.u32 v7, $0x4  }
0xb1: {  	v7 =	vadd.s32 v3, v7  }
0xb2: {  	[tilespmem:v8+s13+$0x0] =	vst.idx.add.s32.msk $0xffff, v2  }
0xb3: {  	v9 =	vshll.u32 v9, $0x4;
	[tilespmem:v6+s13+$0x0] =	vst.idx.add.s32.msk $0xffff, v2  }
0xb4: {  	v6 =	vor.u32 v1, v9;
	v9 =	vld [tilespmem:s21+$0xFFFFFFF0]  }
0xb5: {  	v8 =	vld [tilespmem:s19+$0xFFFFFFE0]  }
0xb6: {  	[tilespmem:v7+s13+$0x0] =	vst.idx.add.s32.msk $0xffff, v2  }
0xb7: {  	v7 =	vld [tilespmem:s21+$0xFFFFFFB0];
	_ =	sdelay $0x1  }
0xb8: {  	[tilespmem:v6+s13+$0x0] =	vst.idx.add.s32.msk $0xffff, v2;
	v6 =	vshll.u32 v9, $0x4  }
0xb9: {  	v9 =	vld [tilespmem:s19+$0xFFFFFFA0];
	v6 =	vadd.s32 v4, v6  }
0xba: {  	s20 =	simm.s32 $0x2170;
	v8 =	vshll.u32 v8, $0x4  }
0xbb: {  	v10 =	vld [tilespmem:s20+$0xFFFFFFD0];
	v8 =	vadd.s32 v3, v8;
	v7 =	vshll.u32 v7, $0x4  }
0xbc: {  	v7 =	vadd.s32 v4, v7  }
0xbd: {  	v11 =	vld [tilespmem:s20+$0xFFFFFF90]  }
0xbe: {  	v9 =	vshll.u32 v9, $0x4;
	[tilespmem:v6+s13+$0x0] =	vst.idx.add.s32.msk $0xffff, v2  }
0xbf: {  	v6 =	vadd.s32 v3, v9;
	v9 =	vld [tilespmem:s21+$0x0]  }
0xc0: {  	v10 =	vshll.u32 v10, $0x4;
	[tilespmem:v8+s13+$0x0] =	vst.idx.add.s32.msk $0xffff, v2  }
0xc1: {  	[tilespmem:v7+s13+$0x0] =	vst.idx.add.s32.msk $0xffff, v2;
	v7 =	vor.u32 v1, v10  }
0xc2: {  	v11 =	vshll.u32 v11, $0x4;
	v10 =	vld [tilespmem:s21+$0xFFFFFFC0]  }
0xc3: {  	v11 =	vor.u32 v1, v11;
	v12 =	vld [tilespmem:s19+$0xFFFFFFF0]  }
0xc4: {  	[tilespmem:v6+s13+$0x0] =	vst.idx.add.s32.msk $0xffff, v2;
	v6 =	vshll.u32 v9, $0x4  }
0xc5: {  	v13 =	vld [tilespmem:s19+$0xFFFFFFB0];
	v14 =	vadd.s32 v5, v6  }
0xc6: {  	[tilespmem:v7+s13+$0x0] =	vst.idx.add.s32.msk $0xffff, v2  }
0xc7: {  	v8 =	vld [tilespmem:s20+$0xFFFFFFE0];
	v6 =	vshll.u32 v10, $0x4  }
0xc8: {  	[tilespmem:v11+s13+$0x0] =	vst.idx.add.s32.msk $0xffff, v2;
	v7 =	vshll.u32 v12, $0x4;
	v6 =	vadd.s32 v5, v6  }
0xc9: {  	v9 =	vld [tilespmem:s20+$0xFFFFFFA0];
	v7 =	vadd.s32 v4, v7  }
0xca: {  	s22 =	simm.s32 $0x21F0;
	s21 =	simm.s32 $0x10;
	v10 =	vshll.u32 v13, $0x4;
	[tilespmem:v14+s13+$0x0] =	vst.idx.add.s32.msk $0xffff, v2  }
.LBB2_4:
0xcb: {  	v11 =	vld [tilespmem:s22+$0xFFFFFFD0];
	s21 =	sadd.s32 $0x8, s21;
	v10 =	vadd.s32 v4, v10  }
0xcc: {  	v12 =	vld [tilespmem:s22+$0xFFFFFF90];
	p0 =	slt.u32 s21, $0x1F8;
	v8 =	vshll.u32 v8, $0x4  }
0xcd: {  	v8 =	vadd.s32 v3, v8;
	[tilespmem:v6+s13+$0x0] =	vst.idx.add.s32.msk $0xffff, v2  }
0xce: {  	v6 =	vshll.u32 v9, $0x4;
	[tilespmem:v7+s13+$0x0] =	vst.idx.add.s32.msk $0xffff, v2  }
0xcf: {  	v6 =	vadd.s32 v3, v6;
	v7 =	vld [tilespmem:s19+$0x0]  }
0xd0: {  	v9 =	vshll.u32 v11, $0x4;
	[tilespmem:v10+s13+$0x0] =	vst.idx.add.s32.msk $0xffff, v2  }
0xd1: {  	v10 =	vshll.u32 v12, $0x4;
	v9 =	vor.u32 v1, v9;
	v11 =	vld [tilespmem:s19+$0xFFFFFFC0];
	s19 =	smov.u32 s20;
	s20 =	smov.u32 s22  }
0xd2: {  	v10 =	vor.u32 v1, v10;
	[tilespmem:v8+s13+$0x0] =	vst.idx.add.s32.msk $0xffff, v2  }
0xd3: {  	v12 =	vld [tilespmem:s19+$0xFFFFFFF0]  }
0xd4: {  	[tilespmem:v6+s13+$0x0] =	vst.idx.add.s32.msk $0xffff, v2;
	v6 =	vshll.u32 v7, $0x4  }
0xd5: {  	v13 =	vld [tilespmem:s19+$0xFFFFFFB0];
	v14 =	vadd.s32 v5, v6  }
.Ltmp1:
0xd6: {  	[tilespmem:v9+s13+$0x0] =	vst.idx.add.s32.msk $0xffff, v2;
	v6 =	vshll.u32 v11, $0x4;
	(pc) =	sbr.rel @p0 .LBB2_4-.Ltmp1, $4  }
0xd7: {  	v8 =	vld [tilespmem:s22+$0xFFFFFFE0];
	v6 =	vadd.s32 v5, v6  }
0xd8: {  	[tilespmem:v10+s13+$0x0] =	vst.idx.add.s32.msk $0xffff, v2;
	v7 =	vshll.u32 v12, $0x4  }
0xd9: {  	v9 =	vld [tilespmem:s22+$0xFFFFFFA0];
	v7 =	vadd.s32 v4, v7  }
0xda: {  	s22 =	sadd.s32 $0x80, s22;
	v10 =	vshll.u32 v13, $0x4;
	[tilespmem:v14+s13+$0x0] =	vst.idx.add.s32.msk $0xffff, v2  }
0xdb: {  	_ = 	snop  }
0xdc: {  	v8 =	vshll.u32 v8, $0x4  }
0xdd: {  	v8 =	vadd.s32 v3, v8  }
0xde: {  	v9 =	vshll.u32 v9, $0x4  }
0xdf: {  	v9 =	vadd.s32 v3, v9;
	_ =	sdelay $0x2  }
0xe0: {  	[tilespmem:v8+s13+$0x0] =	vst.idx.add.s32.msk $0xffff, v2  }
0xe1: {  	v8 =	vld [tilespmem:s20+$0xFFFFFFF0]  }
0xe2: {  	[tilespmem:v9+s13+$0x0] =	vst.idx.add.s32.msk $0xffff, v2  }
0xe3: {  	v9 =	vld [tilespmem:s20+$0xFFFFFFB0]  }
0xe4: {  	v10 =	vadd.s32 v4, v10;
	_ =	sdelay $0x1  }
0xe5: {  	v8 =	vshll.u32 v8, $0x4  }
0xe6: {  	v8 =	vadd.s32 v4, v8  }
0xe7: {  	[tilespmem:v7+s13+$0x0] =	vst.idx.add.s32.msk $0xffff, v2;
	v7 =	vshll.u32 v9, $0x4  }
0xe8: {  	[tilespmem:v10+s13+$0x0] =	vst.idx.add.s32.msk $0xffff, v2;
	v7 =	vadd.s32 v4, v7  }
0xe9: {  	v10 =	vld [tilespmem:s19+$0xFFFFFFC0]  }
0xea: {  	v9 =	vld [tilespmem:s19+$0x0]  }
0xeb: {  	[tilespmem:v8+s13+$0x0] =	vst.idx.add.s32.msk $0xffff, v2  }
0xec: {  	v8 =	vld [tilespmem:s20+$0x0]  }
0xed: {  	[tilespmem:v7+s13+$0x0] =	vst.idx.add.s32.msk $0xffff, v2  }
0xee: {  	v7 =	vld [tilespmem:s20+$0xFFFFFFC0];
	_ =	sdelay $0x1  }
0xef: {  	v10 =	vshll.u32 v10, $0x4  }
0xf0: {  	v10 =	vadd.s32 v5, v10;
	v9 =	vshll.u32 v9, $0x4  }
0xf1: {  	v9 =	vadd.s32 v5, v9;
	v8 =	vshll.u32 v8, $0x4  }
0xf2: {  	v8 =	vadd.s32 v5, v8;
	v7 =	vshll.u32 v7, $0x4  }
0xf3: {  	v7 =	vadd.s32 v5, v7  }
0xf4: {  	[tilespmem:v6+s13+$0x0] =	vst.idx.add.s32.msk $0xffff, v2  }
0xf5: {  	[tilespmem:v10+s13+$0x0] =	vst.idx.add.s32.msk $0xffff, v2  }
0xf6: {  	[tilespmem:v9+s13+$0x0] =	vst.idx.add.s32.msk $0xffff, v2  }
0xf7: {  	[tilespmem:v8+s13+$0x0] =	vst.idx.add.s32.msk $0xffff, v2  }
0xf8: {  	[tilespmem:v7+s13+$0x0] =	vst.idx.add.s32.msk $0xffff, v2  }
0xf9: {  	_ =	strace $0x9000004C  }
0xfa: {  	[tilespmem:s10], [sflag:$0x2] =	stream.linear.gather [hbm4b:s7+s3], $0x2000, $0x38;
	[tilespmem:$0x4C80] =	vst v63  }
0xfb: {  	_ =	strace $0x8000004D  }
0xfc: {  	_ =	swait.ge [sflag:s12], $0x2000  }
0xfd: {  	[sflag:s12] =	ssyncset.done $0x0  }
0xfe: {  	[sflag:s12] =	ssyncadd.s32 $0xFFFFE000  }
0xff: {  	_ =	strace $0x9000004D  }
0x100: {  	s21 =	simm.s32 $0x40;
	_ =	strace $0x8000004E  }
0x101: {  	v6 =	vld [tilespmem:s21+$0x0];
	_ =	sdelay $0x2  }
0x102: {  	v7 =	vld [tilespmem:s21+$0xFFFFFFC0];
	_ =	sdelay $0x1  }
0x103: {  	v6 =	vshll.u32 v6, $0x4  }
0x104: {  	v6 =	vor.u32 v1, v6;
	_ =	sdelay $0x1  }
0x105: {  	v7 =	vshll.u32 v7, $0x4  }
0x106: {  	s19 =	simm.s32 $0xC0;
	v7 =	vor.u32 v1, v7  }
0x107: {  	v8 =	vld [tilespmem:s19+$0x0]  }
0x108: {  	[tilespmem:v6+s13+$0x0] =	vst.idx.add.s32.msk $0xffff, v2  }
0x109: {  	v6 =	vld [tilespmem:s21+$0x10];
	_ =	sdelay $0x1  }
0x10a: {  	[tilespmem:v7+s13+$0x0] =	vst.idx.add.s32.msk $0xffff, v2  }
0x10b: {  	v7 =	vld [tilespmem:s21+$0xFFFFFFD0]  }
0x10c: {  	v8 =	vshll.u32 v8, $0x4  }
0x10d: {  	v8 =	vor.u32 v1, v8;
	v6 =	vshll.u32 v6, $0x4  }
0x10e: {  	v9 =	vld [tilespmem:s19+$0xFFFFFFC0];
	v6 =	vadd.s32 v3, v6;
	_ =	sdelay $0x1  }
0x10f: {  	v7 =	vshll.u32 v7, $0x4  }
0x110: {  	v7 =	vadd.s32 v3, v7  }
0x111: {  	[tilespmem:v8+s13+$0x0] =	vst.idx.add.s32.msk $0xffff, v2  }
0x112: {  	v9 =	vshll.u32 v9, $0x4;
	[tilespmem:v6+s13+$0x0] =	vst.idx.add.s32.msk $0xffff, v2  }
0x113: {  	v6 =	vor.u32 v1, v9;
	v9 =	vld [tilespmem:s21+$0x20]  }
0x114: {  	v8 =	vld [tilespmem:s19+$0x10]  }
0x115: {  	[tilespmem:v7+s13+$0x0] =	vst.idx.add.s32.msk $0xffff, v2  }
0x116: {  	v7 =	vld [tilespmem:s21+$0xFFFFFFE0];
	_ =	sdelay $0x1  }
0x117: {  	[tilespmem:v6+s13+$0x0] =	vst.idx.add.s32.msk $0xffff, v2;
	v6 =	vshll.u32 v9, $0x4  }
0x118: {  	v9 =	vld [tilespmem:s19+$0xFFFFFFD0];
	v6 =	vadd.s32 v4, v6  }
0x119: {  	s20 =	simm.s32 $0x140;
	v8 =	vshll.u32 v8, $0x4  }
0x11a: {  	v10 =	vld [tilespmem:s20+$0x0];
	v8 =	vadd.s32 v3, v8;
	v7 =	vshll.u32 v7, $0x4  }
0x11b: {  	v7 =	vadd.s32 v4, v7  }
0x11c: {  	v11 =	vld [tilespmem:s20+$0xFFFFFFC0]  }
0x11d: {  	v9 =	vshll.u32 v9, $0x4;
	[tilespmem:v6+s13+$0x0] =	vst.idx.add.s32.msk $0xffff, v2  }
0x11e: {  	v6 =	vadd.s32 v3, v9;
	v9 =	vld [tilespmem:s21+$0x30]  }
0x11f: {  	v10 =	vshll.u32 v10, $0x4;
	[tilespmem:v8+s13+$0x0] =	vst.idx.add.s32.msk $0xffff, v2  }
0x120: {  	[tilespmem:v7+s13+$0x0] =	vst.idx.add.s32.msk $0xffff, v2;
	v7 =	vor.u32 v1, v10  }
0x121: {  	v11 =	vshll.u32 v11, $0x4;
	v10 =	vld [tilespmem:s21+$0xFFFFFFF0]  }
0x122: {  	v11 =	vor.u32 v1, v11;
	v12 =	vld [tilespmem:s19+$0x20]  }
0x123: {  	[tilespmem:v6+s13+$0x0] =	vst.idx.add.s32.msk $0xffff, v2;
	v6 =	vshll.u32 v9, $0x4  }
0x124: {  	v13 =	vld [tilespmem:s19+$0xFFFFFFE0];
	v14 =	vadd.s32 v5, v6  }
0x125: {  	[tilespmem:v7+s13+$0x0] =	vst.idx.add.s32.msk $0xffff, v2  }
0x126: {  	v8 =	vld [tilespmem:s20+$0x10];
	v6 =	vshll.u32 v10, $0x4  }
0x127: {  	[tilespmem:v11+s13+$0x0] =	vst.idx.add.s32.msk $0xffff, v2;
	v7 =	vshll.u32 v12, $0x4;
	v6 =	vadd.s32 v5, v6  }
0x128: {  	v9 =	vld [tilespmem:s20+$0xFFFFFFD0];
	v7 =	vadd.s32 v4, v7  }
0x129: {  	s22 =	simm.s32 $0x1C0;
	s21 =	simm.s32 $0x10;
	v10 =	vshll.u32 v13, $0x4;
	[tilespmem:v14+s13+$0x0] =	vst.idx.add.s32.msk $0xffff, v2  }
.LBB2_6:
0x12a: {  	v11 =	vld [tilespmem:s22+$0x0];
	s21 =	sadd.s32 $0x8, s21;
	v10 =	vadd.s32 v4, v10  }
0x12b: {  	v12 =	vld [tilespmem:s22+$0xFFFFFFC0];
	p0 =	slt.u32 s21, $0x1F8;
	v8 =	vshll.u32 v8, $0x4  }
0x12c: {  	v8 =	vadd.s32 v3, v8;
	[tilespmem:v6+s13+$0x0] =	vst.idx.add.s32.msk $0xffff, v2  }
0x12d: {  	v6 =	vshll.u32 v9, $0x4;
	[tilespmem:v7+s13+$0x0] =	vst.idx.add.s32.msk $0xffff, v2  }
0x12e: {  	v6 =	vadd.s32 v3, v6;
	v7 =	vld [tilespmem:s19+$0x30]  }
0x12f: {  	v9 =	vshll.u32 v11, $0x4;
	[tilespmem:v10+s13+$0x0] =	vst.idx.add.s32.msk $0xffff, v2  }
0x130: {  	v10 =	vshll.u32 v12, $0x4;
	v9 =	vor.u32 v1, v9;
	v11 =	vld [tilespmem:s19+$0xFFFFFFF0];
	s19 =	smov.u32 s20;
	s20 =	smov.u32 s22  }
0x131: {  	v10 =	vor.u32 v1, v10;
	[tilespmem:v8+s13+$0x0] =	vst.idx.add.s32.msk $0xffff, v2  }
0x132: {  	v12 =	vld [tilespmem:s19+$0x20]  }
0x133: {  	[tilespmem:v6+s13+$0x0] =	vst.idx.add.s32.msk $0xffff, v2;
	v6 =	vshll.u32 v7, $0x4  }
0x134: {  	v13 =	vld [tilespmem:s19+$0xFFFFFFE0];
	v14 =	vadd.s32 v5, v6  }
.Ltmp2:
0x135: {  	[tilespmem:v9+s13+$0x0] =	vst.idx.add.s32.msk $0xffff, v2;
	v6 =	vshll.u32 v11, $0x4;
	(pc) =	sbr.rel @p0 .LBB2_6-.Ltmp2, $4  }
0x136: {  	v8 =	vld [tilespmem:s22+$0x10];
	v6 =	vadd.s32 v5, v6  }
0x137: {  	[tilespmem:v10+s13+$0x0] =	vst.idx.add.s32.msk $0xffff, v2;
	v7 =	vshll.u32 v12, $0x4  }
0x138: {  	v9 =	vld [tilespmem:s22+$0xFFFFFFD0];
	v7 =	vadd.s32 v4, v7  }
0x139: {  	s22 =	sadd.s32 $0x80, s22;
	v10 =	vshll.u32 v13, $0x4;
	[tilespmem:v14+s13+$0x0] =	vst.idx.add.s32.msk $0xffff, v2  }
0x13a: {  	_ = 	snop  }
0x13b: {  	v8 =	vshll.u32 v8, $0x4  }
0x13c: {  	v8 =	vadd.s32 v3, v8  }
0x13d: {  	v9 =	vshll.u32 v9, $0x4  }
0x13e: {  	v9 =	vadd.s32 v3, v9;
	_ =	sdelay $0x2  }
0x13f: {  	[tilespmem:v8+s13+$0x0] =	vst.idx.add.s32.msk $0xffff, v2  }
0x140: {  	v8 =	vld [tilespmem:s20+$0x20]  }
0x141: {  	[tilespmem:v9+s13+$0x0] =	vst.idx.add.s32.msk $0xffff, v2  }
0x142: {  	v9 =	vld [tilespmem:s20+$0xFFFFFFE0]  }
0x143: {  	v10 =	vadd.s32 v4, v10;
	_ =	sdelay $0x1  }
0x144: {  	v8 =	vshll.u32 v8, $0x4  }
0x145: {  	v8 =	vadd.s32 v4, v8  }
0x146: {  	[tilespmem:v7+s13+$0x0] =	vst.idx.add.s32.msk $0xffff, v2;
	v7 =	vshll.u32 v9, $0x4  }
0x147: {  	[tilespmem:v10+s13+$0x0] =	vst.idx.add.s32.msk $0xffff, v2;
	v7 =	vadd.s32 v4, v7  }
0x148: {  	v10 =	vld [tilespmem:s19+$0xFFFFFFF0]  }
0x149: {  	v9 =	vld [tilespmem:s19+$0x30]  }
0x14a: {  	[tilespmem:v8+s13+$0x0] =	vst.idx.add.s32.msk $0xffff, v2  }
0x14b: {  	v8 =	vld [tilespmem:s20+$0x30]  }
0x14c: {  	[tilespmem:v7+s13+$0x0] =	vst.idx.add.s32.msk $0xffff, v2  }
0x14d: {  	v7 =	vld [tilespmem:s20+$0xFFFFFFF0];
	_ =	sdelay $0x1  }
0x14e: {  	v10 =	vshll.u32 v10, $0x4  }
0x14f: {  	v10 =	vadd.s32 v5, v10;
	v9 =	vshll.u32 v9, $0x4  }
0x150: {  	v9 =	vadd.s32 v5, v9;
	v8 =	vshll.u32 v8, $0x4  }
0x151: {  	v8 =	vadd.s32 v5, v8;
	v7 =	vshll.u32 v7, $0x4  }
0x152: {  	v7 =	vadd.s32 v5, v7  }
0x153: {  	[tilespmem:v6+s13+$0x0] =	vst.idx.add.s32.msk $0xffff, v2  }
0x154: {  	[tilespmem:v10+s13+$0x0] =	vst.idx.add.s32.msk $0xffff, v2  }
0x155: {  	[tilespmem:v9+s13+$0x0] =	vst.idx.add.s32.msk $0xffff, v2  }
0x156: {  	[tilespmem:v8+s13+$0x0] =	vst.idx.add.s32.msk $0xffff, v2  }
0x157: {  	[tilespmem:v7+s13+$0x0] =	vst.idx.add.s32.msk $0xffff, v2  }
0x158: {  	_ =	strace $0x9000004E  }
0x159: {  	_ =	strace $0x8000004F  }
0x15a: {  	_ =	swait.ge [sflag:s14], $0x2000  }
0x15b: {  	[sflag:s14] =	ssyncset.done $0x0  }
0x15c: {  	[sflag:s14] =	ssyncadd.s32 $0xFFFFE000  }
0x15d: {  	_ =	strace $0x9000004F  }
0x15e: {  	s21 =	simm.s32 $0x2070;
	_ =	strace $0x80000050  }
0x15f: {  	v6 =	vld [tilespmem:s21+$0xFFFFFFD0];
	_ =	sdelay $0x2  }
0x160: {  	v7 =	vld [tilespmem:s21+$0xFFFFFF90];
	_ =	sdelay $0x1  }
0x161: {  	v6 =	vshll.u32 v6, $0x4  }
0x162: {  	v6 =	vor.u32 v1, v6;
	_ =	sdelay $0x1  }
0x163: {  	v7 =	vshll.u32 v7, $0x4  }
0x164: {  	s19 =	simm.s32 $0x20F0;
	v7 =	vor.u32 v1, v7  }
0x165: {  	v8 =	vld [tilespmem:s19+$0xFFFFFFD0]  }
0x166: {  	[tilespmem:v6+s13+$0x0] =	vst.idx.add.s32.msk $0xffff, v2  }
0x167: {  	v6 =	vld [tilespmem:s21+$0xFFFFFFE0];
	_ =	sdelay $0x1  }
0x168: {  	[tilespmem:v7+s13+$0x0] =	vst.idx.add.s32.msk $0xffff, v2  }
0x169: {  	v7 =	vld [tilespmem:s21+$0xFFFFFFA0]  }
0x16a: {  	v8 =	vshll.u32 v8, $0x4  }
0x16b: {  	v8 =	vor.u32 v1, v8;
	v6 =	vshll.u32 v6, $0x4  }
0x16c: {  	v9 =	vld [tilespmem:s19+$0xFFFFFF90];
	v6 =	vadd.s32 v3, v6;
	_ =	sdelay $0x1  }
0x16d: {  	v7 =	vshll.u32 v7, $0x4  }
0x16e: {  	v7 =	vadd.s32 v3, v7  }
0x16f: {  	[tilespmem:v8+s13+$0x0] =	vst.idx.add.s32.msk $0xffff, v2  }
0x170: {  	v9 =	vshll.u32 v9, $0x4;
	[tilespmem:v6+s13+$0x0] =	vst.idx.add.s32.msk $0xffff, v2  }
0x171: {  	v6 =	vor.u32 v1, v9;
	v9 =	vld [tilespmem:s21+$0xFFFFFFF0]  }
0x172: {  	v8 =	vld [tilespmem:s19+$0xFFFFFFE0]  }
0x173: {  	[tilespmem:v7+s13+$0x0] =	vst.idx.add.s32.msk $0xffff, v2  }
0x174: {  	v7 =	vld [tilespmem:s21+$0xFFFFFFB0];
	_ =	sdelay $0x1  }
0x175: {  	[tilespmem:v6+s13+$0x0] =	vst.idx.add.s32.msk $0xffff, v2;
	v6 =	vshll.u32 v9, $0x4  }
0x176: {  	v9 =	vld [tilespmem:s19+$0xFFFFFFA0];
	v6 =	vadd.s32 v4, v6  }
0x177: {  	s20 =	simm.s32 $0x2170;
	v8 =	vshll.u32 v8, $0x4  }
0x178: {  	v10 =	vld [tilespmem:s20+$0xFFFFFFD0];
	v8 =	vadd.s32 v3, v8;
	v7 =	vshll.u32 v7, $0x4  }
0x179: {  	v7 =	vadd.s32 v4, v7  }
0x17a: {  	v11 =	vld [tilespmem:s20+$0xFFFFFF90]  }
0x17b: {  	v9 =	vshll.u32 v9, $0x4;
	[tilespmem:v6+s13+$0x0] =	vst.idx.add.s32.msk $0xffff, v2  }
0x17c: {  	v6 =	vadd.s32 v3, v9;
	v9 =	vld [tilespmem:s21+$0x0]  }
0x17d: {  	v10 =	vshll.u32 v10, $0x4;
	[tilespmem:v8+s13+$0x0] =	vst.idx.add.s32.msk $0xffff, v2  }
0x17e: {  	[tilespmem:v7+s13+$0x0] =	vst.idx.add.s32.msk $0xffff, v2;
	v7 =	vor.u32 v1, v10  }
0x17f: {  	v11 =	vshll.u32 v11, $0x4;
	v10 =	vld [tilespmem:s21+$0xFFFFFFC0]  }
0x180: {  	v11 =	vor.u32 v1, v11;
	v12 =	vld [tilespmem:s19+$0xFFFFFFF0]  }
0x181: {  	[tilespmem:v6+s13+$0x0] =	vst.idx.add.s32.msk $0xffff, v2;
	v6 =	vshll.u32 v9, $0x4  }
0x182: {  	v13 =	vld [tilespmem:s19+$0xFFFFFFB0];
	v14 =	vadd.s32 v5, v6  }
0x183: {  	[tilespmem:v7+s13+$0x0] =	vst.idx.add.s32.msk $0xffff, v2  }
0x184: {  	v8 =	vld [tilespmem:s20+$0xFFFFFFE0];
	v6 =	vshll.u32 v10, $0x4  }
0x185: {  	[tilespmem:v11+s13+$0x0] =	vst.idx.add.s32.msk $0xffff, v2;
	v7 =	vshll.u32 v12, $0x4;
	v6 =	vadd.s32 v5, v6  }
0x186: {  	v9 =	vld [tilespmem:s20+$0xFFFFFFA0];
	v7 =	vadd.s32 v4, v7  }
0x187: {  	s22 =	simm.s32 $0x21F0;
	s21 =	simm.s32 $0x10;
	v10 =	vshll.u32 v13, $0x4;
	[tilespmem:v14+s13+$0x0] =	vst.idx.add.s32.msk $0xffff, v2  }
.LBB2_8:
0x188: {  	v11 =	vld [tilespmem:s22+$0xFFFFFFD0];
	s21 =	sadd.s32 $0x8, s21;
	v10 =	vadd.s32 v4, v10  }
0x189: {  	v12 =	vld [tilespmem:s22+$0xFFFFFF90];
	p0 =	slt.u32 s21, $0x1F8;
	v8 =	vshll.u32 v8, $0x4  }
0x18a: {  	v8 =	vadd.s32 v3, v8;
	[tilespmem:v6+s13+$0x0] =	vst.idx.add.s32.msk $0xffff, v2  }
0x18b: {  	v6 =	vshll.u32 v9, $0x4;
	[tilespmem:v7+s13+$0x0] =	vst.idx.add.s32.msk $0xffff, v2  }
0x18c: {  	v6 =	vadd.s32 v3, v6;
	v7 =	vld [tilespmem:s19+$0x0]  }
0x18d: {  	v9 =	vshll.u32 v11, $0x4;
	[tilespmem:v10+s13+$0x0] =	vst.idx.add.s32.msk $0xffff, v2  }
0x18e: {  	v10 =	vshll.u32 v12, $0x4;
	v9 =	vor.u32 v1, v9;
	v11 =	vld [tilespmem:s19+$0xFFFFFFC0];
	s19 =	smov.u32 s20;
	s20 =	smov.u32 s22  }
0x18f: {  	v10 =	vor.u32 v1, v10;
	[tilespmem:v8+s13+$0x0] =	vst.idx.add.s32.msk $0xffff, v2  }
0x190: {  	v12 =	vld [tilespmem:s19+$0xFFFFFFF0]  }
0x191: {  	[tilespmem:v6+s13+$0x0] =	vst.idx.add.s32.msk $0xffff, v2;
	v6 =	vshll.u32 v7, $0x4  }
0x192: {  	v13 =	vld [tilespmem:s19+$0xFFFFFFB0];
	v14 =	vadd.s32 v5, v6  }
.Ltmp3:
0x193: {  	[tilespmem:v9+s13+$0x0] =	vst.idx.add.s32.msk $0xffff, v2;
	v6 =	vshll.u32 v11, $0x4;
	(pc) =	sbr.rel @p0 .LBB2_8-.Ltmp3, $4  }
0x194: {  	v8 =	vld [tilespmem:s22+$0xFFFFFFE0];
	v6 =	vadd.s32 v5, v6  }
0x195: {  	[tilespmem:v10+s13+$0x0] =	vst.idx.add.s32.msk $0xffff, v2;
	v7 =	vshll.u32 v12, $0x4  }
0x196: {  	v9 =	vld [tilespmem:s22+$0xFFFFFFA0];
	v7 =	vadd.s32 v4, v7  }
0x197: {  	s22 =	sadd.s32 $0x80, s22;
	v10 =	vshll.u32 v13, $0x4;
	[tilespmem:v14+s13+$0x0] =	vst.idx.add.s32.msk $0xffff, v2  }
0x198: {  	_ = 	snop  }
0x199: {  	v8 =	vshll.u32 v8, $0x4  }
0x19a: {  	v8 =	vadd.s32 v3, v8  }
0x19b: {  	v9 =	vshll.u32 v9, $0x4  }
0x19c: {  	v9 =	vadd.s32 v3, v9;
	_ =	sdelay $0x2  }
0x19d: {  	[tilespmem:v8+s13+$0x0] =	vst.idx.add.s32.msk $0xffff, v2  }
0x19e: {  	v8 =	vld [tilespmem:s20+$0xFFFFFFF0]  }
0x19f: {  	[tilespmem:v9+s13+$0x0] =	vst.idx.add.s32.msk $0xffff, v2  }
0x1a0: {  	v9 =	vld [tilespmem:s20+$0xFFFFFFB0];
	_ =	sdelay $0x1  }
0x1a1: {  	v10 =	vadd.s32 v4, v10  }
0x1a2: {  	v8 =	vshll.u32 v8, $0x4  }
0x1a3: {  	v8 =	vadd.s32 v4, v8  }
0x1a4: {  	[tilespmem:v7+s13+$0x0] =	vst.idx.add.s32.msk $0xffff, v2;
	v7 =	vshll.u32 v9, $0x4  }
0x1a5: {  	v58 =	vld [tilespmem:s19+$0x0];
	v7 =	vadd.s32 v4, v7  }
0x1a6: {  	[tilespmem:v10+s13+$0x0] =	vst.idx.add.s32.msk $0xffff, v2  }
0x1a7: {  	v10 =	vld [tilespmem:s19+$0xFFFFFFC0]  }
0x1a8: {  	[tilespmem:v8+s13+$0x0] =	vst.idx.add.s32.msk $0xffff, v2  }
0x1a9: {  	v8 =	vld [tilespmem:s20+$0x0]  }
0x1aa: {  	[tilespmem:v7+s13+$0x0] =	vst.idx.add.s32.msk $0xffff, v2  }
0x1ab: {  	v7 =	vld [tilespmem:s20+$0xFFFFFFC0];
	_ =	sdelay $0x1  }
0x1ac: {  	v10 =	vshll.u32 v10, $0x4  }
0x1ad: {  	v10 =	vadd.s32 v5, v10;
	v9 =	vshll.u32 v58, $0x4  }
0x1ae: {  	v9 =	vadd.s32 v5, v9;
	v8 =	vshll.u32 v8, $0x4  }
0x1af: {  	v8 =	vadd.s32 v5, v8;
	v7 =	vshll.u32 v7, $0x4  }
0x1b0: {  	v7 =	vadd.s32 v5, v7  }
0x1b1: {  	[tilespmem:v6+s13+$0x0] =	vst.idx.add.s32.msk $0xffff, v2  }
0x1b2: {  	[tilespmem:v10+s13+$0x0] =	vst.idx.add.s32.msk $0xffff, v2  }
0x1b3: {  	[tilespmem:v9+s13+$0x0] =	vst.idx.add.s32.msk $0xffff, v2  }
0x1b4: {  	[tilespmem:v8+s13+$0x0] =	vst.idx.add.s32.msk $0xffff, v2  }
0x1b5: {  	[tilespmem:v7+s13+$0x0] =	vst.idx.add.s32.msk $0xffff, v2  }
0x1b6: {  	_ =	strace $0x90000050  }
0x1b7: {  	_ =	strace $0x80000051  }
0x1b8: {  	_ =	swait.ge [sflag:s15], $0x500  }
0x1b9: {  	[sflag:s15] =	ssyncset.done $0x0  }
0x1ba: {  	[sflag:s15] =	ssyncadd.s32 $0xFFFFFB00  }
0x1bb: {  	v6 =	vld [tilespmem:$0x4800]  }
0x1bc: {  	v7 =	vld [tilespmem:$0x4900]  }
0x1bd: {  	v59 =	vld [tilespmem:$0x4A00]  }
0x1be: {  	v60 =	vld [tilespmem:$0x4B00]  }
0x1bf: {  	v61 =	vld [tilespmem:$0x4810]  }
0x1c0: {  	v11 =	vld [tilespmem:$0x4910]  }
0x1c1: {  	v12 =	vld [tilespmem:$0x4A10]  }
0x1c2: {  	v13 =	vld [tilespmem:$0x4B10]  }
0x1c3: {  	v14 =	vld [tilespmem:$0x4820]  }
0x1c4: {  	v15 =	vld [tilespmem:$0x4920]  }
0x1c5: {  	v16 =	vld [tilespmem:$0x4A20]  }
0x1c6: {  	v17 =	vld [tilespmem:$0x4B20]  }
0x1c7: {  	v18 =	vld [tilespmem:$0x4830]  }
0x1c8: {  	v19 =	vld [tilespmem:$0x4930]  }
0x1c9: {  	v20 =	vld [tilespmem:$0x4A30]  }
0x1ca: {  	v21 =	vld [tilespmem:$0x4B30]  }
0x1cb: {  	v22 =	vld [tilespmem:$0x4840]  }
0x1cc: {  	v23 =	vld [tilespmem:$0x4940]  }
0x1cd: {  	v24 =	vld [tilespmem:$0x4A40]  }
0x1ce: {  	v25 =	vld [tilespmem:$0x4B40]  }
0x1cf: {  	v26 =	vld [tilespmem:$0x4850]  }
0x1d0: {  	v27 =	vld [tilespmem:$0x4950]  }
0x1d1: {  	v28 =	vld [tilespmem:$0x4A50]  }
0x1d2: {  	v29 =	vld [tilespmem:$0x4B50]  }
0x1d3: {  	v62 =	vld [tilespmem:$0x4960];
	v6 =	vadd.s32 v6, v7  }
0x1d4: {  	v30 =	vld [tilespmem:$0x4A60];
	v6 =	vadd.s32 v59, v6  }
0x1d5: {  	v31 =	vld [tilespmem:$0x4B60];
	v63 =	vadd.s32 v61, v11;
	v6 =	vadd.s32 v60, v6  }
0x1d6: {  	v33 =	vld [tilespmem:$0x4870];
	(xrf0) =	vadd.scan.msk.s32 $0xffff, v6;
	v6 =	vadd.s32 v12, v63  }
0x1d7: {  	v34 =	vld [tilespmem:$0x4970];
	v32 =	vadd.s32 v14, v15;
	v6 =	vadd.s32 v13, v6  }
0x1d8: {  	v36 =	vld [tilespmem:$0x4A70];
	(xrf0) =	vadd.scan.msk.s32 $0xffff, v6;
	v6 =	vadd.s32 v16, v32  }
0x1d9: {  	v37 =	vld [tilespmem:$0x4B70];
	v35 =	vadd.s32 v18, v19;
	v6 =	vadd.s32 v17, v6  }
0x1da: {  	v7 =	vld [tilespmem:$0x4860];
	(xrf0) =	vadd.scan.msk.s32 $0xffff, v6;
	v6 =	vadd.s32 v20, v35  }
0x1db: {  	v39 =	vld [tilespmem:$0x4880];
	v38 =	vadd.s32 v22, v23;
	v6 =	vadd.s32 v21, v6  }
0x1dc: {  	v41 =	vld [tilespmem:$0x4980];
	v40, _, _ =	vpop (xrf0);
	(xrf0) =	vadd.scan.msk.s32 $0xffff, v6;
	v6 =	vadd.s32 v24, v38  }
0x1dd: {  	v43 =	vld [tilespmem:$0x4A80];
	v42 =	vadd.s32 v26, v27;
	(v2sf) =	vpush v40, $0xF;
	v6 =	vadd.s32 v25, v6  }
0x1de: {  	v45 =	vld [tilespmem:$0x4B80];
	v44, _, _ =	vpop (xrf0);
	(xrf0) =	vadd.scan.msk.s32 $0xffff, v6;
	v6 =	vadd.s32 v28, v42  }
0x1df: {  	v46 =	vld [tilespmem:$0x4890];
	v7 =	vadd.s32 v7, v62;
	(v2sf) =	vpush v44, $0xF;
	v6 =	vadd.s32 v29, v6  }
0x1e0: {  	v47, _, _ =	vpop (xrf0);
	(xrf0) =	vadd.scan.msk.s32 $0xffff, v6;
	v6 =	vadd.s32 v30, v7;
	v7 =	vld [tilespmem:$0x4990]  }
0x1e1: {  	v49 =	vld [tilespmem:$0x4A90];
	v48 =	vadd.s32 v33, v34;
	(v2sf) =	vpush v47, $0xF;
	v6 =	vadd.s32 v31, v6  }
0x1e2: {  	v51 =	vld [tilespmem:$0x4B90];
	v50, _, _ =	vpop (xrf0);
	(xrf0) =	vadd.scan.msk.s32 $0xffff, v6;
	v6 =	vadd.s32 v36, v48  }
0x1e3: {  	v52 =	vadd.s32 v39, v41;
	(v2sf) =	vpush v50, $0xF;
	v6 =	vadd.s32 v37, v6  }
0x1e4: {  	v53, _, _ =	vpop (xrf0);
	(xrf0) =	vadd.scan.msk.s32 $0xffff, v6;
	v6 =	vadd.s32 v43, v52  }
0x1e5: {  	(v2sf) =	vpush v53, $0xF;
	v6 =	vadd.s32 v45, v6;
	v7 =	vadd.s32 v46, v7  }
0x1e6: {  	v54, _, _ =	vpop (xrf0);
	(xrf0) =	vadd.scan.msk.s32 $0xffff, v6;
	v6 =	vadd.s32 v49, v7  }
0x1e7: {  	(v2sf) =	vpush v54, $0xF;
	v6 =	vadd.s32 v51, v6  }
0x1e8: {  	v7, _, _ =	vpop (xrf0);
	(xrf0) =	vadd.scan.msk.s32 $0xffff, v6  }
0x1e9: {  	(v2sf) =	vpush v7, $0xF  }
0x1ea: {  	v7 =	vld [tilespmem:$0x4000];
	v6, _, _ =	vpop (xrf0)  }
0x1eb: {  	(v2sf) =	vpush v6, $0xF  }
0x1ec: {  	v55 =	vld [tilespmem:$0x4080];
	v6, _, _ =	vpop (xrf0);
	s23 =	spop (v2sf)  }
0x1ed: {  	s19 =	scvt.s32.f32 s23;
	(v2sf) =	vpush v6, $0xF  }
0x1ee: {  	v6 =	vld [tilespmem:$0x4100];
	s24 =	spop (v2sf);
	v56, _, _ =	vpop (xrf0)  }
0x1ef: {  	v7 =	vmul.f32 s19, v7;
	s25 =	scvt.s32.f32 s24;
	(v2sf) =	vpush v56, $0xF  }
0x1f0: {  	v57 =	vld [tilespmem:$0x4180];
	s26 =	spop (v2sf)  }
0x1f1: {  	v7 =	vadd.f32 $0.0e+00, v7;
	v8 =	vmul.f32 s25, v55;
	s28 =	scvt.s32.f32 s26  }
0x1f2: {  	v58 =	vld [tilespmem:$0x4200];
	s29 =	spop (v2sf)  }
0x1f3: {  	v7 =	vadd.f32 v8, v7;
	v6 =	vmul.f32 s28, v6;
	s30 =	scvt.s32.f32 s29  }
0x1f4: {  	v59 =	vld [tilespmem:$0x4280];
	s31 =	spop (v2sf)  }
0x1f5: {  	v6 =	vadd.f32 v6, v7;
	v7 =	vmul.f32 s30, v57;
	s20 =	scvt.s32.f32 s31  }
0x1f6: {  	v60 =	vld [tilespmem:$0x4300];
	s21 =	spop (v2sf)  }
0x1f7: {  	v6 =	vadd.f32 v7, v6;
	v7 =	vmul.f32 s20, v58;
	s22 =	scvt.s32.f32 s21  }
0x1f8: {  	v61 =	vld [tilespmem:$0x4380];
	s23 =	spop (v2sf)  }
0x1f9: {  	v6 =	vadd.f32 v7, v6;
	v7 =	vmul.f32 s22, v59;
	s24 =	scvt.s32.f32 s23  }
0x1fa: {  	v62 =	vld [tilespmem:$0x4400];
	s25 =	spop (v2sf)  }
0x1fb: {  	v6 =	vadd.f32 v7, v6;
	v7 =	vmul.f32 s24, v60;
	s26 =	scvt.s32.f32 s25  }
0x1fc: {  	v63 =	vld [tilespmem:$0x4480];
	s28 =	spop (v2sf)  }
0x1fd: {  	v6 =	vadd.f32 v7, v6;
	v7 =	vmul.f32 s26, v61;
	s29 =	scvt.s32.f32 s28  }
0x1fe: {  	s30 =	spop (v2sf)  }
0x1ff: {  	v6 =	vadd.f32 v7, v6;
	v7 =	vmul.f32 s29, v62;
	s31 =	scvt.s32.f32 s30;
	_ =	sdelay $0x1  }
0x200: {  	v6 =	vadd.f32 v7, v6;
	v7 =	vmul.f32 s31, v63;
	_ =	sdelay $0x1  }
0x201: {  	v6 =	vadd.f32 v7, v6;
	_ =	sdelay $0x1  }
0x202: {  	v6 =	vmul.f32 $9.536743160e-07, v6  }
0x203: {  	s18 =	sadd.s32 $0x1, s18  }
0x204: {  	p0 =	sne.s32 s18, s9;
	[tilespmem:$0x4C00] =	vst v6  }
0x205: {  	[hbm4b:s8+s3] =	stream.linear.scatter [tilespmem:s16], [sflag:$0x4], $0x80, $0x200038;
	[tilespmem:$0x4C80] =	vst v63  }
.Ltmp4:
0x206: {  	_ = 	snop;
	(pc) =	sbr.rel @p0 .LBB2_1-.Ltmp4, $4  }
0x207: {  	_ =	swait.ge [sflag:s17], $0x80  }
0x208: {  	[sflag:s17] =	ssyncset.done $0x0  }
0x209: {  	[sflag:s17] =	ssyncadd.s32 $0xFFFFFF80  }
0x20a: {  	_ =	strace $0x90000051  }
0x20b: {  	_ =	sfence.sel $0x180000  }
0x20c: {  	[bflag:$0x0] =	sbarrier.arrive $0xFFFF  }
0x20d: {  	p0 =	sne.s32 s1, $0x0;
	_ =	strace $0x90000047  }
0x20e: {  	s0 =	sadd.s32 @!p0 $0x100000, s0;
	[bflag:$0x2] =	sbarrier.arrive $0xFFFF  }
0x20f: {  	[sflag:s0] =	ssyncadd.tile.s32 @!p0 $0x1;
	_ =	shalt  }
.Lfunc_end2:
_tile_overlayer_lowered:
.L_overlay_start_2:
0x210: {  	(tag) =	ssettag $0x2  }
0x211: {  	s0 =	rddreg [dreg:$0x0];
	s2 =	stileid.u32  }
0x212: {  	s1 =	rddreg [dreg:$0x1];
	p0 =	sne.s32 s2, $0x0  }
0x213: {  	s3 =	rddreg [dreg:$0x2];
	[bflag:$0x3] =	sbarrier.arrive $0xFFFF;
	s2 =	simm.s32 @!p0 $0x1C04  }
0x214: {  	[timem:s3], [sflag:s2] =	dma.local @!p0 [hbm:s0], s1  }
0x215: {  	s0 =	simm.s32 @!p0 $0x4  }
0x216: {  	_ =	swait.ge @!p0 [sflag:s0], s1  }
0x217: {  	s1 =	ssub.s32 @!p0 $0x0, s1;
	[sflag:s0] =	ssyncset.done @!p0 $0x0  }
0x218: {  	[sflag:s0] =	ssyncadd.s32 @!p0 s1  }
0x219: {  	[bflag:$0x3] =	sbarrier.arrive $0xFFFF  }
0x21a: {  	_ =	shalt  }

</sc_bundles>
